<compile_context>
chip_gen: v7x
topology: tpu7x:2x2x1
jax: 0.10.2.dev20260603
libtpu: 0.0.44.dev20260713+nightly
codegen_flags: <defaults>
</compile_context>

<pallas_src>
import functools

import jax
import jax.numpy as jnp
from jax import lax
from jax.experimental import pallas as pl
from jax.experimental.pallas import tpu as pltpu
from jax.experimental.pallas import tpu_sc as plsc

N_LIG = 10000
N_PROT = 10000
E = 320000
D = 128
H = 128

NC = 2
NS = 16
NW = NC * NS
CHUNK = 128
CPT = 80
E_PAD = NW * CPT * CHUNK
NCHUNK = E_PAD // CHUNK
CPT_C = (80, 80)
CPTMAX = CPT
ROWS = 10240
RPT = ROWS // NS
DUMMY = N_LIG
NB = 1
CW = 128

_NOTILE = pltpu.CompilerParams(use_tc_tiling_on_sc=False)


def _seg_sum_sc(xp_bf, idx_flat, rowids, zrows):
    mesh = plsc.VectorSubcoreMesh(core_axis_name="c", subcore_axis_name="s")

    @functools.partial(
        pl.kernel,
        out_type=(
            jax.ShapeDtypeStruct((NC, ROWS, D), jnp.float32),
        ),
        mesh=mesh,
        compiler_params=_NOTILE,
        scratch_types=[
            pltpu.VMEM((2, CPTMAX), jnp.int32),
            pltpu.VMEM((2, CPTMAX, CHUNK), jnp.int32),
            pltpu.VMEM((NB, CHUNK, D), jnp.float32),
            pltpu.VMEM_SHARED((ROWS, D), jnp.float32),
            pltpu.SemaphoreType.DMA,
        ],
    )
    def seg(xp_hbm, idxf_hbm, rid_hbm, z_hbm, psum_hbm,
            rid_v, idx_v, rows_v, accum_sh, sem):
        c = lax.axis_index("c")
        s = lax.axis_index("s")
        wid = s * NC + c

        pltpu.sync_copy(rid_hbm.at[wid], rid_v)
        pltpu.async_copy(idxf_hbm.at[rid_v.at[0]], idx_v.at[0], sem).wait()
        pltpu.async_copy(idxf_hbm.at[rid_v.at[1]], idx_v.at[1], sem).wait()

        def zslab(k, _):
            pltpu.sync_copy(z_hbm,
                            accum_sh.at[pl.ds(s * RPT + k * CHUNK, CHUNK)])
            return _
        lax.fori_loop(0, RPT // CHUNK, zslab, None)
        plsc.subcore_barrier()

        def body(i, _):
            j0 = NB * i
            for b in range(NB):
                pltpu.async_copy(xp_hbm.at[idx_v.at[0, j0 + b]],
                                 rows_v.at[b], sem)
            for b in range(NB):
                pltpu.make_async_copy(xp_hbm.at[idx_v.at[0, 0]],
                                      rows_v.at[b], sem).wait()
            for b in range(NB):
                pltpu.sync_copy(rows_v.at[b],
                                accum_sh.at[idx_v.at[1, j0 + b]], add=True)
            return _
        lax.fori_loop(0, CPT // NB, body, None)
        plsc.subcore_barrier()

        pltpu.sync_copy(accum_sh.at[pl.ds(s * RPT, RPT)],
                        psum_hbm.at[c, pl.ds(s * RPT, RPT)])

    return seg(xp_bf, idx_flat, rowids, zrows)


def _seg_cnt_sc(idx_flat, rowids_dst, ones_rows, zcnt):
    mesh = plsc.VectorSubcoreMesh(core_axis_name="c", subcore_axis_name="s")

    @functools.partial(
        pl.kernel,
        out_type=(
            jax.ShapeDtypeStruct((NC, ROWS, CW), jnp.float32),
        ),
        mesh=mesh,
        scratch_types=[
            pltpu.VMEM((CPT,), jnp.int32),
            pltpu.VMEM((CPT, CHUNK), jnp.int32),
            pltpu.VMEM((CHUNK, CW), jnp.float32),
            pltpu.VMEM_SHARED((ROWS, CW), jnp.float32),
            pltpu.SemaphoreType.DMA,
        ],
    )
    def cntk(idxf_hbm, rid_hbm, ones_hbm, z_hbm, pcnt_hbm,
             rid_v, dst_v, ones_v, cnt_sh, sem):
        c = lax.axis_index("c")
        s = lax.axis_index("s")
        wid = s * NC + c

        pltpu.sync_copy(rid_hbm.at[wid], rid_v)
        pltpu.async_copy(idxf_hbm.at[rid_v], dst_v, sem).wait()
        pltpu.sync_copy(ones_hbm, ones_v)

        def zslab(k, _):
            pltpu.sync_copy(z_hbm,
                            cnt_sh.at[pl.ds(s * RPT + k * CHUNK, CHUNK)])
            return _
        lax.fori_loop(0, RPT // CHUNK, zslab, None)
        plsc.subcore_barrier()

        def body(j, _):
            pltpu.sync_copy(ones_v, cnt_sh.at[dst_v.at[j]], add=True)
            return _
        lax.fori_loop(0, CPT, body, None)
        plsc.subcore_barrier()

        pltpu.sync_copy(cnt_sh.at[pl.ds(s * RPT, RPT)],
                        pcnt_hbm.at[c, pl.ds(s * RPT, RPT)])

    return cntk(idx_flat, rowids_dst, ones_rows, zcnt)


def _tail_tc(psum, pcnt, xl_pad, W_l, b_l, W_r, W_lin, b_lin):
    def body(ps_ref, pc_ref, xl_ref, wl_ref, bl_ref, wr_ref, wlin_ref,
             blin_ref, out_ref):
        ssum = (ps_ref[0].astype(jnp.float32)
                + ps_ref[1].astype(jnp.float32))
        cnt = (pc_ref[0, :, 0:1].astype(jnp.float32)
               + pc_ref[1, :, 0:1].astype(jnp.float32))
        mean = ssum / jnp.maximum(cnt, 1.0)
        z = (jnp.dot(mean, wl_ref[...], preferred_element_type=jnp.float32)
             + bl_ref[...]
             + jnp.dot(xl_ref[...], wr_ref[...],
                       preferred_element_type=jnp.float32))
        h = jnp.maximum(z, 0.0)
        rid = lax.broadcasted_iota(jnp.int32, (ROWS, 1), 0)
        h = jnp.where(rid < N_LIG, h, 0.0)
        m = jnp.sum(h, axis=0, keepdims=True) * (1.0 / N_LIG)
        out_ref[...] = (jnp.dot(m, wlin_ref[...],
                                preferred_element_type=jnp.float32)
                        + blin_ref[...])

    out = pl.pallas_call(
        body,
        out_shape=jax.ShapeDtypeStruct((1, 1), jnp.float32),
    )(psum, pcnt, xl_pad, W_l, b_l.reshape(1, H), W_r, W_lin,
      b_lin.reshape(1, 1))
    return out.reshape(1)


def kernel(x_ligand, x_protein, edge_index_lp, edge_index_pl,
           W_lp_l, b_lp_l, W_lp_r, W_pl_l, b_pl_l, W_pl_r, W_lin, b_lin):
    src = edge_index_pl[0].astype(jnp.int32)
    dst = edge_index_pl[1].astype(jnp.int32)
    pad = E_PAD - E
    src_t = jnp.concatenate([src, jnp.zeros((pad,), jnp.int32)]).reshape(
        NW, CPT, CHUNK)
    dst_t = jnp.concatenate([dst, jnp.full((pad,), DUMMY, jnp.int32)]).reshape(
        NW, CPT, CHUNK)

    zrows = jnp.zeros((CHUNK, D), jnp.float32)
    ones_rows = jnp.ones((CHUNK, CW), jnp.float32)
    zcnt = jnp.zeros((CHUNK, CW), jnp.float32)
    idx_flat = jnp.concatenate([src_t.reshape(NCHUNK, CHUNK),
                                dst_t.reshape(NCHUNK, CHUNK)], axis=0)
    ws = jnp.arange(NW, dtype=jnp.int32)
    s_ = ws // NC
    c_ = ws % NC
    kk = jnp.arange(CPTMAX, dtype=jnp.int32)
    cid = jnp.where(
        (c_[:, None] == 0),
        s_[:, None] * CPT_C[0] + jnp.minimum(kk[None, :], CPT_C[0] - 1),
        NS * CPT_C[0] + s_[:, None] * CPT_C[1]
        + jnp.minimum(kk[None, :], CPT_C[1] - 1))
    rowids = jnp.stack([cid, NCHUNK + cid], axis=1)
    rowids_dst = (NCHUNK + ws[:, None] * CPT
                  + jnp.arange(CPT, dtype=jnp.int32)[None, :])

    (psum,) = _seg_sum_sc(x_protein, idx_flat, rowids, zrows)
    (pcnt,) = _seg_cnt_sc(idx_flat, rowids_dst, ones_rows, zcnt)

    xl_pad = jnp.zeros((ROWS, D), jnp.float32).at[:N_LIG].set(x_ligand)
    return _tail_tc(psum, pcnt, xl_pad, W_pl_l, b_pl_l, W_pl_r, W_lin, b_lin)

# --- scband reference (transcript-rebuilt; emitter-appended) ---
"""Pipeline reference for scband-test-hetero-gnn-1924145349232 (READ-ONLY COPY).

The authoritative reference and input builder live on the scoring server;
editing this copy changes nothing except your own understanding.
"""

import jax, jax.numpy as jnp
import numpy as np

N_LIG = 10000
N_PROT = 10000
E = 320000
D = 128
H = 128


def _sage_conv(x_src, x_dst, edge_index, W_l, b_l, W_r, num_dst):
    # PyG SAGEConv (bipartite, mean aggr): out = lin_l(mean_j x_src[j]) + lin_r(x_dst)
    src = edge_index[0]
    dst = edge_index[1]
    msgs = jnp.take(x_src, src, axis=0)
    summed = jax.ops.segment_sum(msgs, dst, num_segments=num_dst)
    cnt = jax.ops.segment_sum(jnp.ones((src.shape[0], 1), dtype=x_src.dtype), dst, num_segments=num_dst)
    mean = summed / jnp.clip(cnt, 1.0, None)
    return mean @ W_l + b_l + x_dst @ W_r


def setup_inputs(seed: int = 0) -> dict:
    key = jax.random.key(seed)
    ks = jax.random.split(key, 12)
    x_ligand = jax.random.normal(ks[0], (N_LIG, D), dtype=jnp.float32)
    x_protein = jax.random.normal(ks[1], (N_PROT, D), dtype=jnp.float32)
    edge_index_lp = jax.random.randint(ks[2], (2, E), 0, N_LIG)  # src=ligand, dst=protein (both sized 10000)
    edge_index_pl = jax.random.randint(ks[3], (2, E), 0, N_PROT)
    s = 1.0 / np.sqrt(D)
    sh = 1.0 / np.sqrt(H)
    W_lp_l = jax.random.uniform(ks[4], (D, H), jnp.float32, -s, s)
    b_lp_l = jax.random.uniform(ks[5], (H,), jnp.float32, -s, s)
    W_lp_r = jax.random.uniform(ks[6], (D, H), jnp.float32, -s, s)
    W_pl_l = jax.random.uniform(ks[7], (D, H), jnp.float32, -s, s)
    b_pl_l = jax.random.uniform(ks[8], (H,), jnp.float32, -s, s)
    W_pl_r = jax.random.uniform(ks[9], (D, H), jnp.float32, -s, s)
    W_lin = jax.random.uniform(ks[10], (H, 1), jnp.float32, -sh, sh)
    b_lin = jax.random.uniform(ks[11], (1,), jnp.float32, -sh, sh)
    return {
        "x_ligand": x_ligand, "x_protein": x_protein,
        "edge_index_lp": edge_index_lp, "edge_index_pl": edge_index_pl,
        "W_lp_l": W_lp_l, "b_lp_l": b_lp_l, "W_lp_r": W_lp_r,
        "W_pl_l": W_pl_l, "b_pl_l": b_pl_l, "W_pl_r": W_pl_r,
        "W_lin": W_lin, "b_lin": b_lin,
    }


def reference(x_ligand, x_protein, edge_index_lp, edge_index_pl,
              W_lp_l, b_lp_l, W_lp_r, W_pl_l, b_pl_l, W_pl_r, W_lin, b_lin):
    # HeteroConv: ligand->protein updates 'protein', protein->ligand updates 'ligand'
    h_protein = _sage_conv(x_ligand, x_protein, edge_index_lp, W_lp_l, b_lp_l, W_lp_r, N_PROT)
    h_ligand = _sage_conv(x_protein, x_ligand, edge_index_pl, W_pl_l, b_pl_l, W_pl_r, N_LIG)
    h_protein = jax.nn.relu(h_protein)
    h_ligand = jax.nn.relu(h_ligand)
    ligand_out = jnp.mean(h_ligand, axis=0)
    return ligand_out @ W_lin + b_lin

if __name__ == "__main__":
    import jax
    _d = setup_inputs()
    print(jax.jit(kernel)(*tuple(_d.values())))

</pallas_src>

<mosaic_0001>
#map = affine_map<(d0, d1) -> (0, 0)>
#map1 = affine_map<(d0, d1) -> (0, 0, 0)>
module attributes {stable_mosaic.version = 14 : i64} {
  func.func @cntk(%arg0: i32, %arg1: i32, %arg2: memref<5120x128xi32, #tpu.memory_space<hbm>>, %arg3: memref<32x80xi32, #tpu.memory_space<hbm>>, %arg4: memref<128x128xf32, #tpu.memory_space<hbm>>, %arg5: memref<128x128xf32, #tpu.memory_space<hbm>>, %arg6: memref<2x10240x128xf32, #tpu.memory_space<hbm>>, %arg7: memref<80xi32, #tpu.memory_space<vmem>>, %arg8: memref<80x128xi32, #tpu.memory_space<vmem>>, %arg9: memref<128x128xf32, #tpu.memory_space<vmem>>, %arg10: memref<10240x128xf32, #tpu.memory_space<vmem_shared>>, %arg11: memref<!tpu.dma_semaphore, #tpu.memory_space<semaphore_mem>>) attributes {dimension_semantics = [#tpu.dimension_semantics<core_parallel>, #tpu.dimension_semantics<subcore_parallel>], iteration_bounds = array<i64: 2, 16>, scalar_prefetch = 0 : i64, scratch_operands = 5 : i64, tpu.core_type = #tpu.core_type<sc_vector_subcore>, window_params = [{transform_indices = #map}, {transform_indices = #map}, {transform_indices = #map}, {transform_indices = #map}, {transform_indices = #map1}]} {
    %mul3A = arith.constant 2 : i32
    %mul3A_0 = arith.muli %arg1, %mul3A : i32
    %add3A = arith.addi %mul3A_0, %arg0 : i32
    "tpu.region"() ({
      %run_scoped3A = tpu.sem_alloc : memref<!tpu.dma_semaphore, #tpu.memory_space<semaphore_mem>>
      %dma_start3A_19 = arith.constant 0 : i32
      %dma_start3A_20 = tpu.memref_slice %arg3[%add3A, %dma_start3A_19] : memref<32x80xi32, #tpu.memory_space<hbm>> -> memref<1x80xi32, #tpu.memory_space<hbm>>
      %dma_start3A_21 = tpu.memref_squeeze %dma_start3A_20 : memref<1x80xi32, #tpu.memory_space<hbm>> -> memref<80xi32, #tpu.memory_space<hbm>>
      %dma_start3A_22 = arith.constant 0 : i32
      %dma_start3A_23 = tpu.memref_slice %arg3[%add3A, %dma_start3A_22] : memref<32x80xi32, #tpu.memory_space<hbm>> -> memref<1x80xi32, #tpu.memory_space<hbm>>
      %dma_start3A_24 = tpu.memref_squeeze %dma_start3A_23 : memref<1x80xi32, #tpu.memory_space<hbm>> -> memref<80xi32, #tpu.memory_space<hbm>>
      tpu.enqueue_dma source(%dma_start3A_24 : memref<80xi32, #tpu.memory_space<hbm>>) target(%arg7 : memref<80xi32, #tpu.memory_space<vmem>>) target_semaphore(%run_scoped3A : memref<!tpu.dma_semaphore, #tpu.memory_space<semaphore_mem>>)
      %dma_wait3A_25 = arith.constant 0 : i32
      %dma_wait3A_26 = tpu.memref_slice %arg3[%add3A, %dma_wait3A_25] : memref<32x80xi32, #tpu.memory_space<hbm>> -> memref<1x80xi32, #tpu.memory_space<hbm>>
      %dma_wait3A_27 = tpu.memref_squeeze %dma_wait3A_26 : memref<1x80xi32, #tpu.memory_space<hbm>> -> memref<80xi32, #tpu.memory_space<hbm>>
      %dma_wait3A_28 = arith.constant 0 : i32
      %dma_wait3A_29 = tpu.memref_slice %arg3[%add3A, %dma_wait3A_28] : memref<32x80xi32, #tpu.memory_space<hbm>> -> memref<1x80xi32, #tpu.memory_space<hbm>>
      %dma_wait3A_30 = tpu.memref_squeeze %dma_wait3A_29 : memref<1x80xi32, #tpu.memory_space<hbm>> -> memref<80xi32, #tpu.memory_space<hbm>>
      tpu.wait_dma2 semaphore(%run_scoped3A : memref<!tpu.dma_semaphore, #tpu.memory_space<semaphore_mem>>) src(%dma_wait3A_30 : memref<80xi32, #tpu.memory_space<hbm>>) dst(%arg7 : memref<80xi32, #tpu.memory_space<vmem>>)
      tpu.yield
    }) : () -> ()
    %dma_start3A = arith.constant 0 : i32
    %dma_start3A_1 = arith.constant 0 : i32
    %dma_start3A_2 = tpu.memref_slice %arg2[%dma_start3A, %dma_start3A_1] : memref<5120x128xi32, #tpu.memory_space<hbm>> -> memref<5120x128xi32, #tpu.memory_space<hbm>>
    tpu.enqueue_indirect_dma source(%dma_start3A_2 : memref<5120x128xi32, #tpu.memory_space<hbm>>) target(%arg8 : memref<80x128xi32, #tpu.memory_space<vmem>>) offsets(%arg7 : memref<80xi32, #tpu.memory_space<vmem>>) semaphore(%arg11 : memref<!tpu.dma_semaphore, #tpu.memory_space<semaphore_mem>>)
    %dma_wait3A = arith.constant 0 : i32
    %dma_wait3A_3 = arith.constant 0 : i32
    %dma_wait3A_4 = tpu.memref_slice %arg2[%dma_wait3A, %dma_wait3A_3] : memref<5120x128xi32, #tpu.memory_space<hbm>> -> memref<5120x128xi32, #tpu.memory_space<hbm>>
    tpu.wait_indirect_dma semaphore(%arg11 : memref<!tpu.dma_semaphore, #tpu.memory_space<semaphore_mem>>) src(%dma_wait3A_4 : memref<5120x128xi32, #tpu.memory_space<hbm>>) dst(%arg8 : memref<80x128xi32, #tpu.memory_space<vmem>>)
    "tpu.region"() ({
      %run_scoped3A = tpu.sem_alloc : memref<!tpu.dma_semaphore, #tpu.memory_space<semaphore_mem>>
      tpu.enqueue_dma source(%arg4 : memref<128x128xf32, #tpu.memory_space<hbm>>) target(%arg9 : memref<128x128xf32, #tpu.memory_space<vmem>>) target_semaphore(%run_scoped3A : memref<!tpu.dma_semaphore, #tpu.memory_space<semaphore_mem>>)
      tpu.wait_dma2 semaphore(%run_scoped3A : memref<!tpu.dma_semaphore, #tpu.memory_space<semaphore_mem>>) src(%arg4 : memref<128x128xf32, #tpu.memory_space<hbm>>) dst(%arg9 : memref<128x128xf32, #tpu.memory_space<vmem>>)
      tpu.yield
    }) : () -> ()
    %scan3A = arith.constant 0 : i32
    %scan3A_5 = arith.constant 5 : i32
    %scan3A_6 = arith.addi %scan3A, %scan3A_5 : i32
    %scan3A_7 = arith.constant 1 : i32
    scf.for %scan3A_19 = %scan3A to %scan3A_6 step %scan3A_7  : i32 {
      %mul3A_20 = arith.constant 640 : i32
      %mul3A_21 = arith.muli %arg1, %mul3A_20 : i32
      %mul3A_22 = arith.constant 128 : i32
      %mul3A_23 = arith.muli %scan3A_19, %mul3A_22 : i32
      %add3A_24 = arith.addi %mul3A_21, %mul3A_23 : i32
      "tpu.region"() ({
        %run_scoped3A = tpu.sem_alloc : memref<!tpu.dma_semaphore, #tpu.memory_space<semaphore_mem>>
        %dma_start3A_25 = arith.constant 0 : i32
        %dma_start3A_26 = tpu.memref_slice %arg10[%add3A_24, %dma_start3A_25] : memref<10240x128xf32, #tpu.memory_space<vmem_shared>> -> memref<128x128xf32, #tpu.memory_space<vmem_shared>>
        tpu.enqueue_dma source(%arg5 : memref<128x128xf32, #tpu.memory_space<hbm>>) target(%dma_start3A_26 : memref<128x128xf32, #tpu.memory_space<vmem_shared>>) target_semaphore(%run_scoped3A : memref<!tpu.dma_semaphore, #tpu.memory_space<semaphore_mem>>)
        %dma_wait3A_27 = arith.constant 0 : i32
        %dma_wait3A_28 = tpu.memref_slice %arg10[%add3A_24, %dma_wait3A_27] : memref<10240x128xf32, #tpu.memory_space<vmem_shared>> -> memref<128x128xf32, #tpu.memory_space<vmem_shared>>
        tpu.wait_dma2 semaphore(%run_scoped3A : memref<!tpu.dma_semaphore, #tpu.memory_space<semaphore_mem>>) src(%arg5 : memref<128x128xf32, #tpu.memory_space<hbm>>) dst(%dma_wait3A_28 : memref<128x128xf32, #tpu.memory_space<vmem_shared>>)
        tpu.yield
      }) : () -> ()
    }
    %scan3A_8 = arith.constant 5 : i32
    %barrier3A = arith.constant 0 : index
    tpu.barrier barrier_id(%barrier3A)
    %scan3A_9 = arith.constant 0 : i32
    %scan3A_10 = arith.constant 80 : i32
    %scan3A_11 = arith.addi %scan3A_9, %scan3A_10 : i32
    %scan3A_12 = arith.constant 1 : i32
    scf.for %scan3A_19 = %scan3A_9 to %scan3A_11 step %scan3A_12  : i32 {
      "tpu.region"() ({
        %run_scoped3A = tpu.sem_alloc : memref<!tpu.dma_semaphore, #tpu.memory_space<semaphore_mem>>
        %dma_start3A_20 = arith.constant 0 : i32
        %dma_start3A_21 = tpu.memref_slice %arg8[%scan3A_19, %dma_start3A_20] : memref<80x128xi32, #tpu.memory_space<vmem>> -> memref<1x128xi32, #tpu.memory_space<vmem>>
        %dma_start3A_22 = tpu.memref_squeeze %dma_start3A_21 : memref<1x128xi32, #tpu.memory_space<vmem>> -> memref<128xi32, #tpu.memory_space<vmem>>
        %dma_start3A_23 = arith.constant 0 : i32
        %dma_start3A_24 = arith.constant 0 : i32
        %dma_start3A_25 = tpu.memref_slice %arg10[%dma_start3A_23, %dma_start3A_24] : memref<10240x128xf32, #tpu.memory_space<vmem_shared>> -> memref<10240x128xf32, #tpu.memory_space<vmem_shared>>
        tpu.enqueue_indirect_dma source(%arg9 : memref<128x128xf32, #tpu.memory_space<vmem>>) target(%dma_start3A_25 : memref<10240x128xf32, #tpu.memory_space<vmem_shared>>) offsets(%dma_start3A_22 : memref<128xi32, #tpu.memory_space<vmem>>) semaphore(%run_scoped3A : memref<!tpu.dma_semaphore, #tpu.memory_space<semaphore_mem>>) {add = true}
        %dma_wait3A_26 = arith.constant 0 : i32
        %dma_wait3A_27 = tpu.memref_slice %arg8[%scan3A_19, %dma_wait3A_26] : memref<80x128xi32, #tpu.memory_space<vmem>> -> memref<1x128xi32, #tpu.memory_space<vmem>>
        %dma_wait3A_28 = tpu.memref_squeeze %dma_wait3A_27 : memref<1x128xi32, #tpu.memory_space<vmem>> -> memref<128xi32, #tpu.memory_space<vmem>>
        %dma_wait3A_29 = arith.constant 0 : i32
        %dma_wait3A_30 = arith.constant 0 : i32
        %dma_wait3A_31 = tpu.memref_slice %arg10[%dma_wait3A_29, %dma_wait3A_30] : memref<10240x128xf32, #tpu.memory_space<vmem_shared>> -> memref<10240x128xf32, #tpu.memory_space<vmem_shared>>
        tpu.wait_indirect_dma semaphore(%run_scoped3A : memref<!tpu.dma_semaphore, #tpu.memory_space<semaphore_mem>>) src(%arg9 : memref<128x128xf32, #tpu.memory_space<vmem>>) dst(%dma_wait3A_31 : memref<10240x128xf32, #tpu.memory_space<vmem_shared>>)
        tpu.yield
      }) : () -> ()
    }
    %scan3A_13 = arith.constant 80 : i32
    %barrier3A_14 = arith.constant 0 : index
    tpu.barrier barrier_id(%barrier3A_14)
    %mul3A_15 = arith.constant 640 : i32
    %mul3A_16 = arith.muli %arg1, %mul3A_15 : i32
    %mul3A_17 = arith.constant 640 : i32
    %mul3A_18 = arith.muli %arg1, %mul3A_17 : i32
    "tpu.region"() ({
      %run_scoped3A = tpu.sem_alloc : memref<!tpu.dma_semaphore, #tpu.memory_space<semaphore_mem>>
      %dma_start3A_19 = arith.constant 0 : i32
      %dma_start3A_20 = tpu.memref_slice %arg6[%arg0, %mul3A_18, %dma_start3A_19] : memref<2x10240x128xf32, #tpu.memory_space<hbm>> -> memref<1x640x128xf32, #tpu.memory_space<hbm>>
      %dma_start3A_21 = tpu.memref_squeeze %dma_start3A_20 : memref<1x640x128xf32, #tpu.memory_space<hbm>> -> memref<640x128xf32, #tpu.memory_space<hbm>>
      %dma_start3A_22 = arith.constant 0 : i32
      %dma_start3A_23 = tpu.memref_slice %arg10[%mul3A_16, %dma_start3A_22] : memref<10240x128xf32, #tpu.memory_space<vmem_shared>> -> memref<640x128xf32, #tpu.memory_space<vmem_shared>>
      tpu.enqueue_dma source(%dma_start3A_23 : memref<640x128xf32, #tpu.memory_space<vmem_shared>>) target(%dma_start3A_21 : memref<640x128xf32, #tpu.memory_space<hbm>>) target_semaphore(%run_scoped3A : memref<!tpu.dma_semaphore, #tpu.memory_space<semaphore_mem>>)
      %dma_wait3A_24 = arith.constant 0 : i32
      %dma_wait3A_25 = tpu.memref_slice %arg6[%arg0, %mul3A_18, %dma_wait3A_24] : memref<2x10240x128xf32, #tpu.memory_space<hbm>> -> memref<1x640x128xf32, #tpu.memory_space<hbm>>
      %dma_wait3A_26 = tpu.memref_squeeze %dma_wait3A_25 : memref<1x640x128xf32, #tpu.memory_space<hbm>> -> memref<640x128xf32, #tpu.memory_space<hbm>>
      %dma_wait3A_27 = arith.constant 0 : i32
      %dma_wait3A_28 = tpu.memref_slice %arg10[%mul3A_16, %dma_wait3A_27] : memref<10240x128xf32, #tpu.memory_space<vmem_shared>> -> memref<640x128xf32, #tpu.memory_space<vmem_shared>>
      tpu.wait_dma2 semaphore(%run_scoped3A : memref<!tpu.dma_semaphore, #tpu.memory_space<semaphore_mem>>) src(%dma_wait3A_28 : memref<640x128xf32, #tpu.memory_space<vmem_shared>>) dst(%dma_wait3A_26 : memref<640x128xf32, #tpu.memory_space<hbm>>)
      tpu.yield
    }) : () -> ()
    return
  }
}

#map = affine_map<(d0, d1) -> (0, 0)>
#map1 = affine_map<(d0, d1) -> (0, 0, 0)>
module attributes {stable_mosaic.version = 14 : i64} {
  func.func @seg(%arg0: i32, %arg1: i32, %arg2: memref<10000x128xf32, #tpu.memory_space<hbm>>, %arg3: memref<5120x128xi32, #tpu.memory_space<hbm>>, %arg4: memref<32x2x80xi32, #tpu.memory_space<hbm>>, %arg5: memref<128x128xf32, #tpu.memory_space<hbm>>, %arg6: memref<2x10240x128xf32, #tpu.memory_space<hbm>>, %arg7: memref<2x80xi32, #tpu.memory_space<vmem>>, %arg8: memref<2x80x128xi32, #tpu.memory_space<vmem>>, %arg9: memref<1x128x128xf32, #tpu.memory_space<vmem>>, %arg10: memref<10240x128xf32, #tpu.memory_space<vmem_shared>>, %arg11: memref<!tpu.dma_semaphore, #tpu.memory_space<semaphore_mem>>) attributes {dimension_semantics = [#tpu.dimension_semantics<core_parallel>, #tpu.dimension_semantics<subcore_parallel>], iteration_bounds = array<i64: 2, 16>, scalar_prefetch = 0 : i64, scratch_operands = 5 : i64, tpu.core_type = #tpu.core_type<sc_vector_subcore>, window_params = [{transform_indices = #map}, {transform_indices = #map}, {transform_indices = #map1}, {transform_indices = #map}, {transform_indices = #map1}]} {
    %mul3A = arith.constant 2 : i32
    %mul3A_0 = arith.muli %arg1, %mul3A : i32
    %add3A = arith.addi %mul3A_0, %arg0 : i32
    "tpu.region"() ({
      %run_scoped3A = tpu.sem_alloc : memref<!tpu.dma_semaphore, #tpu.memory_space<semaphore_mem>>
      %dma_start3A_61 = arith.constant 0 : i32
      %dma_start3A_62 = arith.constant 0 : i32
      %dma_start3A_63 = tpu.memref_slice %arg4[%add3A, %dma_start3A_61, %dma_start3A_62] : memref<32x2x80xi32, #tpu.memory_space<hbm>> -> memref<1x2x80xi32, #tpu.memory_space<hbm>>
      %dma_start3A_64 = tpu.memref_squeeze %dma_start3A_63 : memref<1x2x80xi32, #tpu.memory_space<hbm>> -> memref<2x80xi32, #tpu.memory_space<hbm>>
      %dma_start3A_65 = arith.constant 0 : i32
      %dma_start3A_66 = arith.constant 0 : i32
      %dma_start3A_67 = tpu.memref_slice %arg4[%add3A, %dma_start3A_65, %dma_start3A_66] : memref<32x2x80xi32, #tpu.memory_space<hbm>> -> memref<1x2x80xi32, #tpu.memory_space<hbm>>
      %dma_start3A_68 = tpu.memref_squeeze %dma_start3A_67 : memref<1x2x80xi32, #tpu.memory_space<hbm>> -> memref<2x80xi32, #tpu.memory_space<hbm>>
      tpu.enqueue_dma source(%dma_start3A_68 : memref<2x80xi32, #tpu.memory_space<hbm>>) target(%arg7 : memref<2x80xi32, #tpu.memory_space<vmem>>) target_semaphore(%run_scoped3A : memref<!tpu.dma_semaphore, #tpu.memory_space<semaphore_mem>>)
      %dma_wait3A_69 = arith.constant 0 : i32
      %dma_wait3A_70 = arith.constant 0 : i32
      %dma_wait3A_71 = tpu.memref_slice %arg4[%add3A, %dma_wait3A_69, %dma_wait3A_70] : memref<32x2x80xi32, #tpu.memory_space<hbm>> -> memref<1x2x80xi32, #tpu.memory_space<hbm>>
      %dma_wait3A_72 = tpu.memref_squeeze %dma_wait3A_71 : memref<1x2x80xi32, #tpu.memory_space<hbm>> -> memref<2x80xi32, #tpu.memory_space<hbm>>
      %dma_wait3A_73 = arith.constant 0 : i32
      %dma_wait3A_74 = arith.constant 0 : i32
      %dma_wait3A_75 = tpu.memref_slice %arg4[%add3A, %dma_wait3A_73, %dma_wait3A_74] : memref<32x2x80xi32, #tpu.memory_space<hbm>> -> memref<1x2x80xi32, #tpu.memory_space<hbm>>
      %dma_wait3A_76 = tpu.memref_squeeze %dma_wait3A_75 : memref<1x2x80xi32, #tpu.memory_space<hbm>> -> memref<2x80xi32, #tpu.memory_space<hbm>>
      tpu.wait_dma2 semaphore(%run_scoped3A : memref<!tpu.dma_semaphore, #tpu.memory_space<semaphore_mem>>) src(%dma_wait3A_76 : memref<2x80xi32, #tpu.memory_space<hbm>>) dst(%arg7 : memref<2x80xi32, #tpu.memory_space<vmem>>)
      tpu.yield
    }) : () -> ()
    %dma_start3A = arith.constant 0 : i32
    %dma_start3A_1 = arith.constant 0 : i32
    %dma_start3A_2 = arith.constant 0 : i32
    %dma_start3A_3 = arith.constant 0 : i32
    %dma_start3A_4 = tpu.memref_slice %arg8[%dma_start3A_1, %dma_start3A_2, %dma_start3A_3] : memref<2x80x128xi32, #tpu.memory_space<vmem>> -> memref<1x80x128xi32, #tpu.memory_space<vmem>>
    %dma_start3A_5 = tpu.memref_squeeze %dma_start3A_4 : memref<1x80x128xi32, #tpu.memory_space<vmem>> -> memref<80x128xi32, #tpu.memory_space<vmem>>
    %dma_start3A_6 = arith.constant 0 : i32
    %dma_start3A_7 = tpu.memref_slice %arg7[%dma_start3A, %dma_start3A_6] : memref<2x80xi32, #tpu.memory_space<vmem>> -> memref<1x80xi32, #tpu.memory_space<vmem>>
    %dma_start3A_8 = tpu.memref_squeeze %dma_start3A_7 : memref<1x80xi32, #tpu.memory_space<vmem>> -> memref<80xi32, #tpu.memory_space<vmem>>
    %dma_start3A_9 = arith.constant 0 : i32
    %dma_start3A_10 = arith.constant 0 : i32
    %dma_start3A_11 = tpu.memref_slice %arg3[%dma_start3A_9, %dma_start3A_10] : memref<5120x128xi32, #tpu.memory_space<hbm>> -> memref<5120x128xi32, #tpu.memory_space<hbm>>
    tpu.enqueue_indirect_dma source(%dma_start3A_11 : memref<5120x128xi32, #tpu.memory_space<hbm>>) target(%dma_start3A_5 : memref<80x128xi32, #tpu.memory_space<vmem>>) offsets(%dma_start3A_8 : memref<80xi32, #tpu.memory_space<vmem>>) semaphore(%arg11 : memref<!tpu.dma_semaphore, #tpu.memory_space<semaphore_mem>>)
    %dma_wait3A = arith.constant 0 : i32
    %dma_wait3A_12 = arith.constant 0 : i32
    %dma_wait3A_13 = arith.constant 0 : i32
    %dma_wait3A_14 = arith.constant 0 : i32
    %dma_wait3A_15 = tpu.memref_slice %arg8[%dma_wait3A_12, %dma_wait3A_13, %dma_wait3A_14] : memref<2x80x128xi32, #tpu.memory_space<vmem>> -> memref<1x80x128xi32, #tpu.memory_space<vmem>>
    %dma_wait3A_16 = tpu.memref_squeeze %dma_wait3A_15 : memref<1x80x128xi32, #tpu.memory_space<vmem>> -> memref<80x128xi32, #tpu.memory_space<vmem>>
    %dma_wait3A_17 = arith.constant 0 : i32
    %dma_wait3A_18 = tpu.memref_slice %arg7[%dma_wait3A, %dma_wait3A_17] : memref<2x80xi32, #tpu.memory_space<vmem>> -> memref<1x80xi32, #tpu.memory_space<vmem>>
    %dma_wait3A_19 = tpu.memref_squeeze %dma_wait3A_18 : memref<1x80xi32, #tpu.memory_space<vmem>> -> memref<80xi32, #tpu.memory_space<vmem>>
    %dma_wait3A_20 = arith.constant 0 : i32
    %dma_wait3A_21 = arith.constant 0 : i32
    %dma_wait3A_22 = tpu.memref_slice %arg3[%dma_wait3A_20, %dma_wait3A_21] : memref<5120x128xi32, #tpu.memory_space<hbm>> -> memref<5120x128xi32, #tpu.memory_space<hbm>>
    tpu.wait_indirect_dma semaphore(%arg11 : memref<!tpu.dma_semaphore, #tpu.memory_space<semaphore_mem>>) src(%dma_wait3A_22 : memref<5120x128xi32, #tpu.memory_space<hbm>>) dst(%dma_wait3A_16 : memref<80x128xi32, #tpu.memory_space<vmem>>)
    %dma_start3A_23 = arith.constant 1 : i32
    %dma_start3A_24 = arith.constant 1 : i32
    %dma_start3A_25 = arith.constant 0 : i32
    %dma_start3A_26 = arith.constant 0 : i32
    %dma_start3A_27 = tpu.memref_slice %arg8[%dma_start3A_24, %dma_start3A_25, %dma_start3A_26] : memref<2x80x128xi32, #tpu.memory_space<vmem>> -> memref<1x80x128xi32, #tpu.memory_space<vmem>>
    %dma_start3A_28 = tpu.memref_squeeze %dma_start3A_27 : memref<1x80x128xi32, #tpu.memory_space<vmem>> -> memref<80x128xi32, #tpu.memory_space<vmem>>
    %dma_start3A_29 = arith.constant 0 : i32
    %dma_start3A_30 = tpu.memref_slice %arg7[%dma_start3A_23, %dma_start3A_29] : memref<2x80xi32, #tpu.memory_space<vmem>> -> memref<1x80xi32, #tpu.memory_space<vmem>>
    %dma_start3A_31 = tpu.memref_squeeze %dma_start3A_30 : memref<1x80xi32, #tpu.memory_space<vmem>> -> memref<80xi32, #tpu.memory_space<vmem>>
    %dma_start3A_32 = arith.constant 0 : i32
    %dma_start3A_33 = arith.constant 0 : i32
    %dma_start3A_34 = tpu.memref_slice %arg3[%dma_start3A_32, %dma_start3A_33] : memref<5120x128xi32, #tpu.memory_space<hbm>> -> memref<5120x128xi32, #tpu.memory_space<hbm>>
    tpu.enqueue_indirect_dma source(%dma_start3A_34 : memref<5120x128xi32, #tpu.memory_space<hbm>>) target(%dma_start3A_28 : memref<80x128xi32, #tpu.memory_space<vmem>>) offsets(%dma_start3A_31 : memref<80xi32, #tpu.memory_space<vmem>>) semaphore(%arg11 : memref<!tpu.dma_semaphore, #tpu.memory_space<semaphore_mem>>)
    %dma_wait3A_35 = arith.constant 1 : i32
    %dma_wait3A_36 = arith.constant 1 : i32
    %dma_wait3A_37 = arith.constant 0 : i32
    %dma_wait3A_38 = arith.constant 0 : i32
    %dma_wait3A_39 = tpu.memref_slice %arg8[%dma_wait3A_36, %dma_wait3A_37, %dma_wait3A_38] : memref<2x80x128xi32, #tpu.memory_space<vmem>> -> memref<1x80x128xi32, #tpu.memory_space<vmem>>
    %dma_wait3A_40 = tpu.memref_squeeze %dma_wait3A_39 : memref<1x80x128xi32, #tpu.memory_space<vmem>> -> memref<80x128xi32, #tpu.memory_space<vmem>>
    %dma_wait3A_41 = arith.constant 0 : i32
    %dma_wait3A_42 = tpu.memref_slice %arg7[%dma_wait3A_35, %dma_wait3A_41] : memref<2x80xi32, #tpu.memory_space<vmem>> -> memref<1x80xi32, #tpu.memory_space<vmem>>
    %dma_wait3A_43 = tpu.memref_squeeze %dma_wait3A_42 : memref<1x80xi32, #tpu.memory_space<vmem>> -> memref<80xi32, #tpu.memory_space<vmem>>
    %dma_wait3A_44 = arith.constant 0 : i32
    %dma_wait3A_45 = arith.constant 0 : i32
    %dma_wait3A_46 = tpu.memref_slice %arg3[%dma_wait3A_44, %dma_wait3A_45] : memref<5120x128xi32, #tpu.memory_space<hbm>> -> memref<5120x128xi32, #tpu.memory_space<hbm>>
    tpu.wait_indirect_dma semaphore(%arg11 : memref<!tpu.dma_semaphore, #tpu.memory_space<semaphore_mem>>) src(%dma_wait3A_46 : memref<5120x128xi32, #tpu.memory_space<hbm>>) dst(%dma_wait3A_40 : memref<80x128xi32, #tpu.memory_space<vmem>>)
    %scan3A = arith.constant 0 : i32
    %scan3A_47 = arith.constant 5 : i32
    %scan3A_48 = arith.addi %scan3A, %scan3A_47 : i32
    %scan3A_49 = arith.constant 1 : i32
    scf.for %scan3A_61 = %scan3A to %scan3A_48 step %scan3A_49  : i32 {
      %mul3A_62 = arith.constant 640 : i32
      %mul3A_63 = arith.muli %arg1, %mul3A_62 : i32
      %mul3A_64 = arith.constant 128 : i32
      %mul3A_65 = arith.muli %scan3A_61, %mul3A_64 : i32
      %add3A_66 = arith.addi %mul3A_63, %mul3A_65 : i32
      "tpu.region"() ({
        %run_scoped3A = tpu.sem_alloc : memref<!tpu.dma_semaphore, #tpu.memory_space<semaphore_mem>>
        %dma_start3A_67 = arith.constant 0 : i32
        %dma_start3A_68 = tpu.memref_slice %arg10[%add3A_66, %dma_start3A_67] : memref<10240x128xf32, #tpu.memory_space<vmem_shared>> -> memref<128x128xf32, #tpu.memory_space<vmem_shared>>
        tpu.enqueue_dma source(%arg5 : memref<128x128xf32, #tpu.memory_space<hbm>>) target(%dma_start3A_68 : memref<128x128xf32, #tpu.memory_space<vmem_shared>>) target_semaphore(%run_scoped3A : memref<!tpu.dma_semaphore, #tpu.memory_space<semaphore_mem>>)
        %dma_wait3A_69 = arith.constant 0 : i32
        %dma_wait3A_70 = tpu.memref_slice %arg10[%add3A_66, %dma_wait3A_69] : memref<10240x128xf32, #tpu.memory_space<vmem_shared>> -> memref<128x128xf32, #tpu.memory_space<vmem_shared>>
        tpu.wait_dma2 semaphore(%run_scoped3A : memref<!tpu.dma_semaphore, #tpu.memory_space<semaphore_mem>>) src(%arg5 : memref<128x128xf32, #tpu.memory_space<hbm>>) dst(%dma_wait3A_70 : memref<128x128xf32, #tpu.memory_space<vmem_shared>>)
        tpu.yield
      }) : () -> ()
    }
    %scan3A_50 = arith.constant 5 : i32
    %barrier3A = arith.constant 0 : index
    tpu.barrier barrier_id(%barrier3A)
    %scan3A_51 = arith.constant 0 : i32
    %scan3A_52 = arith.constant 80 : i32
    %scan3A_53 = arith.addi %scan3A_51, %scan3A_52 : i32
    %scan3A_54 = arith.constant 1 : i32
    scf.for %scan3A_61 = %scan3A_51 to %scan3A_53 step %scan3A_54  : i32 {
      %mul3A_62 = arith.constant 1 : i32
      %mul3A_63 = arith.muli %mul3A_62, %scan3A_61 : i32
      %add3A_64 = arith.constant 0 : i32
      %add3A_65 = arith.addi %mul3A_63, %add3A_64 : i32
      %dma_start3A_66 = arith.constant 0 : i32
      %dma_start3A_67 = arith.constant 0 : i32
      %dma_start3A_68 = arith.constant 0 : i32
      %dma_start3A_69 = arith.constant 0 : i32
      %dma_start3A_70 = tpu.memref_slice %arg9[%dma_start3A_67, %dma_start3A_68, %dma_start3A_69] : memref<1x128x128xf32, #tpu.memory_space<vmem>> -> memref<1x128x128xf32, #tpu.memory_space<vmem>>
      %dma_start3A_71 = tpu.memref_squeeze %dma_start3A_70 : memref<1x128x128xf32, #tpu.memory_space<vmem>> -> memref<128x128xf32, #tpu.memory_space<vmem>>
      %dma_start3A_72 = arith.constant 0 : i32
      %dma_start3A_73 = tpu.memref_slice %arg8[%dma_start3A_66, %add3A_65, %dma_start3A_72] : memref<2x80x128xi32, #tpu.memory_space<vmem>> -> memref<1x1x128xi32, #tpu.memory_space<vmem>>
      %dma_start3A_74 = tpu.memref_squeeze %dma_start3A_73 : memref<1x1x128xi32, #tpu.memory_space<vmem>> -> memref<128xi32, #tpu.memory_space<vmem>>
      %dma_start3A_75 = arith.constant 0 : i32
      %dma_start3A_76 = arith.constant 0 : i32
      %dma_start3A_77 = tpu.memref_slice %arg2[%dma_start3A_75, %dma_start3A_76] : memref<10000x128xf32, #tpu.memory_space<hbm>> -> memref<10000x128xf32, #tpu.memory_space<hbm>>
      tpu.enqueue_indirect_dma source(%dma_start3A_77 : memref<10000x128xf32, #tpu.memory_space<hbm>>) target(%dma_start3A_71 : memref<128x128xf32, #tpu.memory_space<vmem>>) offsets(%dma_start3A_74 : memref<128xi32, #tpu.memory_space<vmem>>) semaphore(%arg11 : memref<!tpu.dma_semaphore, #tpu.memory_space<semaphore_mem>>)
      %dma_wait3A_78 = arith.constant 0 : i32
      %dma_wait3A_79 = arith.constant 0 : i32
      %dma_wait3A_80 = arith.constant 0 : i32
      %dma_wait3A_81 = arith.constant 0 : i32
      %dma_wait3A_82 = arith.constant 0 : i32
      %dma_wait3A_83 = tpu.memref_slice %arg9[%dma_wait3A_80, %dma_wait3A_81, %dma_wait3A_82] : memref<1x128x128xf32, #tpu.memory_space<vmem>> -> memref<1x128x128xf32, #tpu.memory_space<vmem>>
      %dma_wait3A_84 = tpu.memref_squeeze %dma_wait3A_83 : memref<1x128x128xf32, #tpu.memory_space<vmem>> -> memref<128x128xf32, #tpu.memory_space<vmem>>
      %dma_wait3A_85 = arith.constant 0 : i32
      %dma_wait3A_86 = tpu.memref_slice %arg8[%dma_wait3A_78, %dma_wait3A_79, %dma_wait3A_85] : memref<2x80x128xi32, #tpu.memory_space<vmem>> -> memref<1x1x128xi32, #tpu.memory_space<vmem>>
      %dma_wait3A_87 = tpu.memref_squeeze %dma_wait3A_86 : memref<1x1x128xi32, #tpu.memory_space<vmem>> -> memref<128xi32, #tpu.memory_space<vmem>>
      %dma_wait3A_88 = arith.constant 0 : i32
      %dma_wait3A_89 = arith.constant 0 : i32
      %dma_wait3A_90 = tpu.memref_slice %arg2[%dma_wait3A_88, %dma_wait3A_89] : memref<10000x128xf32, #tpu.memory_space<hbm>> -> memref<10000x128xf32, #tpu.memory_space<hbm>>
      tpu.wait_indirect_dma semaphore(%arg11 : memref<!tpu.dma_semaphore, #tpu.memory_space<semaphore_mem>>) src(%dma_wait3A_90 : memref<10000x128xf32, #tpu.memory_space<hbm>>) dst(%dma_wait3A_84 : memref<128x128xf32, #tpu.memory_space<vmem>>)
      %add3A_91 = arith.constant 0 : i32
      %add3A_92 = arith.addi %mul3A_63, %add3A_91 : i32
      %run_scoped3A = arith.constant 0 : i32
      %run_scoped3A_93 = arith.constant 1 : i32
      "tpu.region"() ({
        %run_scoped3A_94 = tpu.sem_alloc : memref<!tpu.dma_semaphore, #tpu.memory_space<semaphore_mem>>
        %dma_start3A_95 = arith.constant 0 : i32
        %dma_start3A_96 = arith.constant 0 : i32
        %dma_start3A_97 = tpu.memref_slice %arg9[%run_scoped3A, %dma_start3A_95, %dma_start3A_96] : memref<1x128x128xf32, #tpu.memory_space<vmem>> -> memref<1x128x128xf32, #tpu.memory_space<vmem>>
        %dma_start3A_98 = tpu.memref_squeeze %dma_start3A_97 : memref<1x128x128xf32, #tpu.memory_space<vmem>> -> memref<128x128xf32, #tpu.memory_space<vmem>>
        %dma_start3A_99 = arith.constant 0 : i32
        %dma_start3A_100 = tpu.memref_slice %arg8[%run_scoped3A_93, %add3A_92, %dma_start3A_99] : memref<2x80x128xi32, #tpu.memory_space<vmem>> -> memref<1x1x128xi32, #tpu.memory_space<vmem>>
        %dma_start3A_101 = tpu.memref_squeeze %dma_start3A_100 : memref<1x1x128xi32, #tpu.memory_space<vmem>> -> memref<128xi32, #tpu.memory_space<vmem>>
        %dma_start3A_102 = arith.constant 0 : i32
        %dma_start3A_103 = arith.constant 0 : i32
        %dma_start3A_104 = tpu.memref_slice %arg10[%dma_start3A_102, %dma_start3A_103] : memref<10240x128xf32, #tpu.memory_space<vmem_shared>> -> memref<10240x128xf32, #tpu.memory_space<vmem_shared>>
        tpu.enqueue_indirect_dma source(%dma_start3A_98 : memref<128x128xf32, #tpu.memory_space<vmem>>) target(%dma_start3A_104 : memref<10240x128xf32, #tpu.memory_space<vmem_shared>>) offsets(%dma_start3A_101 : memref<128xi32, #tpu.memory_space<vmem>>) semaphore(%run_scoped3A_94 : memref<!tpu.dma_semaphore, #tpu.memory_space<semaphore_mem>>) {add = true}
        %dma_wait3A_105 = arith.constant 0 : i32
        %dma_wait3A_106 = arith.constant 0 : i32
        %dma_wait3A_107 = tpu.memref_slice %arg9[%run_scoped3A, %dma_wait3A_105, %dma_wait3A_106] : memref<1x128x128xf32, #tpu.memory_space<vmem>> -> memref<1x128x128xf32, #tpu.memory_space<vmem>>
        %dma_wait3A_108 = tpu.memref_squeeze %dma_wait3A_107 : memref<1x128x128xf32, #tpu.memory_space<vmem>> -> memref<128x128xf32, #tpu.memory_space<vmem>>
        %dma_wait3A_109 = arith.constant 0 : i32
        %dma_wait3A_110 = tpu.memref_slice %arg8[%run_scoped3A_93, %add3A_92, %dma_wait3A_109] : memref<2x80x128xi32, #tpu.memory_space<vmem>> -> memref<1x1x128xi32, #tpu.memory_space<vmem>>
        %dma_wait3A_111 = tpu.memref_squeeze %dma_wait3A_110 : memref<1x1x128xi32, #tpu.memory_space<vmem>> -> memref<128xi32, #tpu.memory_space<vmem>>
        %dma_wait3A_112 = arith.constant 0 : i32
        %dma_wait3A_113 = arith.constant 0 : i32
        %dma_wait3A_114 = tpu.memref_slice %arg10[%dma_wait3A_112, %dma_wait3A_113] : memref<10240x128xf32, #tpu.memory_space<vmem_shared>> -> memref<10240x128xf32, #tpu.memory_space<vmem_shared>>
        tpu.wait_indirect_dma semaphore(%run_scoped3A_94 : memref<!tpu.dma_semaphore, #tpu.memory_space<semaphore_mem>>) src(%dma_wait3A_108 : memref<128x128xf32, #tpu.memory_space<vmem>>) dst(%dma_wait3A_114 : memref<10240x128xf32, #tpu.memory_space<vmem_shared>>)
        tpu.yield
      }) : () -> ()
    }
    %scan3A_55 = arith.constant 80 : i32
    %barrier3A_56 = arith.constant 0 : index
    tpu.barrier barrier_id(%barrier3A_56)
    %mul3A_57 = arith.constant 640 : i32
    %mul3A_58 = arith.muli %arg1, %mul3A_57 : i32
    %mul3A_59 = arith.constant 640 : i32
    %mul3A_60 = arith.muli %arg1, %mul3A_59 : i32
    "tpu.region"() ({
      %run_scoped3A = tpu.sem_alloc : memref<!tpu.dma_semaphore, #tpu.memory_space<semaphore_mem>>
      %dma_start3A_61 = arith.constant 0 : i32
      %dma_start3A_62 = tpu.memref_slice %arg6[%arg0, %mul3A_60, %dma_start3A_61] : memref<2x10240x128xf32, #tpu.memory_space<hbm>> -> memref<1x640x128xf32, #tpu.memory_space<hbm>>
      %dma_start3A_63 = tpu.memref_squeeze %dma_start3A_62 : memref<1x640x128xf32, #tpu.memory_space<hbm>> -> memref<640x128xf32, #tpu.memory_space<hbm>>
      %dma_start3A_64 = arith.constant 0 : i32
      %dma_start3A_65 = tpu.memref_slice %arg10[%mul3A_58, %dma_start3A_64] : memref<10240x128xf32, #tpu.memory_space<vmem_shared>> -> memref<640x128xf32, #tpu.memory_space<vmem_shared>>
      tpu.enqueue_dma source(%dma_start3A_65 : memref<640x128xf32, #tpu.memory_space<vmem_shared>>) target(%dma_start3A_63 : memref<640x128xf32, #tpu.memory_space<hbm>>) target_semaphore(%run_scoped3A : memref<!tpu.dma_semaphore, #tpu.memory_space<semaphore_mem>>)
      %dma_wait3A_66 = arith.constant 0 : i32
      %dma_wait3A_67 = tpu.memref_slice %arg6[%arg0, %mul3A_60, %dma_wait3A_66] : memref<2x10240x128xf32, #tpu.memory_space<hbm>> -> memref<1x640x128xf32, #tpu.memory_space<hbm>>
      %dma_wait3A_68 = tpu.memref_squeeze %dma_wait3A_67 : memref<1x640x128xf32, #tpu.memory_space<hbm>> -> memref<640x128xf32, #tpu.memory_space<hbm>>
      %dma_wait3A_69 = arith.constant 0 : i32
      %dma_wait3A_70 = tpu.memref_slice %arg10[%mul3A_58, %dma_wait3A_69] : memref<10240x128xf32, #tpu.memory_space<vmem_shared>> -> memref<640x128xf32, #tpu.memory_space<vmem_shared>>
      tpu.wait_dma2 semaphore(%run_scoped3A : memref<!tpu.dma_semaphore, #tpu.memory_space<semaphore_mem>>) src(%dma_wait3A_70 : memref<640x128xf32, #tpu.memory_space<vmem_shared>>) dst(%dma_wait3A_68 : memref<640x128xf32, #tpu.memory_space<hbm>>)
      tpu.yield
    }) : () -> ()
    return
  }
}

module attributes {stable_mosaic.version = 14 : i64} {
  func.func @body(%arg0: memref<2x10240x128xf32, #tpu.memory_space<vmem>>, %arg1: memref<2x10240x128xf32, #tpu.memory_space<vmem>>, %arg2: memref<10240x128xf32, #tpu.memory_space<vmem>>, %arg3: memref<128x128xf32, #tpu.memory_space<vmem>>, %arg4: memref<1x128xf32, #tpu.memory_space<vmem>>, %arg5: memref<128x128xf32, #tpu.memory_space<vmem>>, %arg6: memref<128x1xf32, #tpu.memory_space<vmem>>, %arg7: memref<1x1xf32, #tpu.memory_space<vmem>>, %arg8: memref<1x1xf32, #tpu.memory_space<vmem>>) attributes {dimension_semantics = [], scalar_prefetch = 0 : i64, scratch_operands = 0 : i64, tpu.core_type = #tpu.core_type<tc>} {
    %get3A = arith.constant 0 : index
    %get3A_0 = arith.constant 0 : index
    %get3A_1 = arith.constant 0 : index
    %get3A_2 = vector.load %arg0[%get3A, %get3A_0, %get3A_1] : memref<2x10240x128xf32, #tpu.memory_space<vmem>>, vector<1x10240x128xf32>
    %get3A_3 = vector.shape_cast %get3A_2 : vector<1x10240x128xf32> to vector<10240x128xf32>
    %get3A_4 = arith.constant 1 : index
    %get3A_5 = arith.constant 0 : index
    %get3A_6 = arith.constant 0 : index
    %get3A_7 = vector.load %arg0[%get3A_4, %get3A_5, %get3A_6] : memref<2x10240x128xf32, #tpu.memory_space<vmem>>, vector<1x10240x128xf32>
    %get3A_8 = vector.shape_cast %get3A_7 : vector<1x10240x128xf32> to vector<10240x128xf32>
    %add3A = arith.addf %get3A_3, %get3A_8 : vector<10240x128xf32>
    %get3A_9 = arith.constant 0 : index
    %get3A_10 = arith.constant 0 : index
    %get3A_11 = arith.constant 0 : index
    %get3A_12 = vector.load %arg1[%get3A_9, %get3A_10, %get3A_11] : memref<2x10240x128xf32, #tpu.memory_space<vmem>>, vector<1x10240x1xf32>
    %get3A_13 = vector.shape_cast %get3A_12 : vector<1x10240x1xf32> to vector<10240x1xf32>
    %get3A_14 = arith.constant 1 : index
    %get3A_15 = arith.constant 0 : index
    %get3A_16 = arith.constant 0 : index
    %get3A_17 = vector.load %arg1[%get3A_14, %get3A_15, %get3A_16] : memref<2x10240x128xf32, #tpu.memory_space<vmem>>, vector<1x10240x1xf32>
    %get3A_18 = vector.shape_cast %get3A_17 : vector<1x10240x1xf32> to vector<10240x1xf32>
    %add3A_19 = arith.addf %get3A_13, %get3A_18 : vector<10240x1xf32>
    %max3A = arith.constant 1.000000e+00 : f32
    %max3A_20 = vector.broadcast %max3A : f32 to vector<10240x1xf32>
    %max3A_21 = arith.maximumf %add3A_19, %max3A_20 : vector<10240x1xf32>
    %div3A = vector.broadcast %max3A_21 : vector<10240x1xf32> to vector<10240x128xf32>
    %div3A_22 = arith.divf %add3A, %div3A : vector<10240x128xf32>
    %get3A_23 = arith.constant 0 : index
    %get3A_24 = arith.constant 0 : index
    %get3A_25 = vector.load %arg3[%get3A_23, %get3A_24] : memref<128x128xf32, #tpu.memory_space<vmem>>, vector<128x128xf32>
    %dot_general3A = arith.constant dense<0.000000e+00> : vector<10240x128xf32>
    %dot_general3A_26 = tpu.matmul %div3A_22, %get3A_25, %dot_general3A {dimension_numbers = #tpu.dot_dimension_numbers<[1], [0], [0], [1], [0, 0, 1, 1], [], []>, transpose_lhs_hint = false} : vector<10240x128xf32>, vector<128x128xf32>, vector<10240x128xf32> -> vector<10240x128xf32>
    %get3A_27 = arith.constant 0 : index
    %get3A_28 = arith.constant 0 : index
    %get3A_29 = vector.load %arg4[%get3A_27, %get3A_28] : memref<1x128xf32, #tpu.memory_space<vmem>>, vector<1x128xf32>
    %add3A_30 = vector.broadcast %get3A_29 : vector<1x128xf32> to vector<10240x128xf32>
    %add3A_31 = arith.addf %dot_general3A_26, %add3A_30 : vector<10240x128xf32>
    %get3A_32 = arith.constant 0 : index
    %get3A_33 = arith.constant 0 : index
    %get3A_34 = vector.load %arg2[%get3A_32, %get3A_33] : memref<10240x128xf32, #tpu.memory_space<vmem>>, vector<10240x128xf32>
    %get3A_35 = arith.constant 0 : index
    %get3A_36 = arith.constant 0 : index
    %get3A_37 = vector.load %arg5[%get3A_35, %get3A_36] : memref<128x128xf32, #tpu.memory_space<vmem>>, vector<128x128xf32>
    %dot_general3A_38 = arith.constant dense<0.000000e+00> : vector<10240x128xf32>
    %dot_general3A_39 = tpu.matmul %get3A_34, %get3A_37, %dot_general3A_38 {dimension_numbers = #tpu.dot_dimension_numbers<[1], [0], [0], [1], [0, 0, 1, 1], [], []>, transpose_lhs_hint = false} : vector<10240x128xf32>, vector<128x128xf32>, vector<10240x128xf32> -> vector<10240x128xf32>
    %add3A_40 = arith.addf %add3A_31, %dot_general3A_39 : vector<10240x128xf32>
    %max3A_41 = arith.constant 0.000000e+00 : f32
    %max3A_42 = vector.broadcast %max3A_41 : f32 to vector<10240x128xf32>
    %max3A_43 = arith.maximumf %add3A_40, %max3A_42 : vector<10240x128xf32>
    %iota3A = tpu.iota {dimensions = array<i32: 0>} : vector<10240x1xi32>
    %lt3A = arith.constant 10000 : i32
    %lt3A_44 = vector.broadcast %lt3A : i32 to vector<10240x1xi32>
    %lt3A_45 = arith.cmpi slt, %iota3A, %lt3A_44 : vector<10240x1xi32>
    %jit3A = arith.constant 0.000000e+00 : f32
    %broadcast_in_dim3A = vector.shape_cast %lt3A_45 : vector<10240x1xi1> to vector<10240x1xi1>
    %broadcast_in_dim3A_46 = vector.broadcast %broadcast_in_dim3A : vector<10240x1xi1> to vector<10240x128xi1>
    %broadcast_in_dim3A_47 = vector.broadcast %jit3A : f32 to vector<10240x128xf32>
    %select_n3A = arith.select %broadcast_in_dim3A_46, %max3A_43, %broadcast_in_dim3A_47 : vector<10240x128xi1>, vector<10240x128xf32>
    %reduce_sum3A = arith.constant dense<0.000000e+00> : vector<128xf32>
    %reduce_sum3A_48 = vector.multi_reduction <add>, %select_n3A, %reduce_sum3A [0] : vector<10240x128xf32> to vector<128xf32>
    %broadcast_in_dim3A_49 = vector.shape_cast %reduce_sum3A_48 : vector<128xf32> to vector<1x128xf32>
    %mul3A = arith.constant 9.99999974E-5 : f32
    %mul3A_50 = vector.broadcast %mul3A : f32 to vector<1x128xf32>
    %mul3A_51 = arith.mulf %broadcast_in_dim3A_49, %mul3A_50 : vector<1x128xf32>
    %get3A_52 = arith.constant 0 : index
    %get3A_53 = arith.constant 0 : index
    %get3A_54 = vector.load %arg6[%get3A_52, %get3A_53] : memref<128x1xf32, #tpu.memory_space<vmem>>, vector<128x1xf32>
    %dot_general3A_55 = arith.constant dense<0.000000e+00> : vector<1x1xf32>
    %dot_general3A_56 = tpu.matmul %mul3A_51, %get3A_54, %dot_general3A_55 {dimension_numbers = #tpu.dot_dimension_numbers<[1], [0], [0], [1], [0, 0, 1, 1], [], []>, transpose_lhs_hint = false} : vector<1x128xf32>, vector<128x1xf32>, vector<1x1xf32> -> vector<1x1xf32>
    %get3A_57 = arith.constant 0 : index
    %get3A_58 = arith.constant 0 : index
    %get3A_59 = vector.load %arg7[%get3A_57, %get3A_58] : memref<1x1xf32, #tpu.memory_space<vmem>>, vector<1x1xf32>
    %add3A_60 = arith.addf %dot_general3A_56, %get3A_59 : vector<1x1xf32>
    %swap3A = arith.constant 0 : index
    %swap3A_61 = arith.constant 0 : index
    %swap3A_62 = vector.load %arg8[%swap3A, %swap3A_61] : memref<1x1xf32, #tpu.memory_space<vmem>>, vector<1x1xf32>
    tpu.vector_store %arg8[%swap3A, %swap3A_61], %add3A_60 {strides = array<i32>} : memref<1x1xf32, #tpu.memory_space<vmem>>, vector<1x1xf32>,
    return
  }
}

</mosaic_0001>

<sc_bundles>
// kernel: kernel.5.cloned.1.call-start
scs
__scs_entry_jumppad:
0x0: {  	(pc) =	sbr.rel $0x88, $3  }
0x1: {  	(tag) =	ssettag $0x0;
	lr =	simm.s32 $0x1  }
0x2: {  	[smem:$0x3F99] =	sst lr;
	_ =	strace $0xD0000000  }
0x3: {  	_ = 	snop  }
0x4: {  	_ = 	snop  }
0x5: {  	_ = 	snop  }
0x6: {  	_ = 	snop  }
0x7: {  	_ = 	snop  }
__scs_overlays_trampoline_lowered:
0x8: {  	[smem:$0x3FA8] =	sst s0  }
0x9: {  	[smem:$0x3FA9] =	sst s1  }
0xa: {  	[smem:$0x3FAA] =	sst s2  }
0xb: {  	[smem:$0x3FAB] =	sst s3  }
0xc: {  	[smem:$0x3FAC] =	sst s4  }
0xd: {  	[smem:$0x3FAD] =	sst s5  }
0xe: {  	[smem:$0x3FAE] =	sst s6  }
0xf: {  	[smem:$0x3FAF] =	sst s7  }
0x10: {  	[smem:$0x3FB0] =	sst s8  }
0x11: {  	[smem:$0x3FB1] =	sst s9;
	s0 =	simm.s32 @!p0 $0x0  }
0x12: {  	s1 =	sld [smem:$0x3F97];
	s0 =	simm.s32 @p0 $0x1  }
0x13: {  	[smem:$0x3FB2] =	sst s0;
	s0 =	simm.s32 @!p1 $0x0  }
0x14: {  	s2 =	sld [smem:$0x3F96];
	s0 =	simm.s32 @p1 $0x1  }
0x15: {  	[smem:$0x3FB3] =	sst s0;
	s0 =	simm.s32 @!p2 $0x0  }
0x16: {  	s3 =	sld [smem:$0x3FDB];
	s0 =	simm.s32 @p2 $0x1  }
0x17: {  	s4 =	simm.s32 $0x1BF5;
	[smem:$0x3FB5] =	sst s0  }
0x18: {  	s0 =	sld [smem:$0x3F98];
	_ =	swait.ge [sflag:s4], $0x0  }
0x19: {  	s7 =	sld [smem:$0x3F99]  }
0x1a: {  	s8 =	sadd.s32 $0xFFFFE003, lr  }
0x1b: {  	s9 =	sadd.s32 $0xFFFFFEF7, lr;
	s5 =	simm.s32 $0xFFFFFFFF;
	p2 =	slt.u32 s8, $0xFFFFF086  }
0x1c: {  	p1 =	slt.u32 s9, $0xF7A;
	s5 =	simm.s32 @!p2 $0x0  }
0x1d: {  	s5 =	simm.s32 @p1 $0x1;
	p0 =	seq.s32 s7, s2  }
0x1e: {  	s7 =	smul.u32 @!p0 $0xF7A, s2;
	p2 =	seq.s32 @!p0 s5, $0x0  }
0x1f: {  	s9 =	smul.u32 $0xF7A, s1;
	s8 =	simm.s32 @!p0 $0x1BF5;
	p2 =	por !p2, p0  }
0x20: {  	[sflag:s8] =	ssyncset.s32 @!p0 $0xFFFFF086;
	s6 =	sadd.s32 @!p0 s3, s7;
	s7 =	simm.s32 @!p0 $0x108  }
0x21: {  	s3 =	sadd.s32 s3, s9;
	s6 =	sadd.s32 @!p0 $0x88, s6;
	s7 =	simm.s32 @p2 $0x1082  }
0x22: {  	[simem:s7], [sflag:s8] =	dma.local @!p0 [hbm:s6], $0xF7A  }
0x23: {  	s9 =	sor.u32 $0xD0000000, s2;
	s6 =	simm.s32 $0x108;
	_ =	swait.ge @!p0 [sflag:s8], $0x0  }
0x24: {  	s3 =	sadd.s32 $0x88, s3;
	s6 =	simm.s32 @!p1 $0x1082;
	[sflag:s4] =	ssyncset.s32 $0xFFFFF086  }
0x25: {  	[simem:s6], [sflag:s4] =	dma.local [hbm:s3], $0xF7A  }
0x26: {  	[smem:$0x3F99] =	sst s1;
	(tag) =	ssettag s2;
	_ =	strace s9  }
0x27: {  	s1 =	sld [smem:$0x3FA9]  }
0x28: {  	s2 =	sld [smem:$0x3FAA]  }
0x29: {  	s4 =	sld [smem:$0x3FAC]  }
0x2a: {  	p0 =	seq.s32 s5, $0x0;
	s5 =	sld [smem:$0x3FAD]  }
0x2b: {  	s6 =	sld [smem:$0x3FAE]  }
0x2c: {  	s7 =	sld [smem:$0x3FAF]  }
0x2d: {  	s3 =	simm.s32 $0x108;
	s8 =	sld [smem:$0x3FB0]  }
0x2e: {  	s3 =	simm.s32 @!p0 $0x1082;
	s9 =	sld [smem:$0x3FB1]  }
0x2f: {  	lr =	sadd.s32 s0, s3;
	s0 =	sld [smem:$0x3FA8]  }
0x30: {  	s3 =	sld [smem:$0x3FAB]  }
0x31: {  	[smem:$0x3FB4] =	sst s10  }
0x32: {  	s10 =	sld [smem:$0x3FB2];
	_ =	sdelay $0x3  }
0x33: {  	p0 =	seq.s32 s10, $0x1;
	s10 =	sld [smem:$0x3FB4];
	_ =	sdelay $0x3  }
0x34: {  	[smem:$0x3FB4] =	sst s10  }
0x35: {  	s10 =	sld [smem:$0x3FB3];
	_ =	sdelay $0x3  }
0x36: {  	p1 =	seq.s32 s10, $0x1;
	s10 =	sld [smem:$0x3FB4];
	_ =	sdelay $0x3  }
0x37: {  	[smem:$0x3FB4] =	sst s10  }
0x38: {  	s10 =	sld [smem:$0x3FB5]  }
0x39: {  	_ = 	snop;
	(pc) =	sbr.ind lr, $3  }
0x3a: {  	_ = 	snop  }
0x3b: {  	_ = 	snop  }
0x3c: {  	p2 =	seq.s32 s10, $0x1;
	s10 =	sld [smem:$0x3FB4]  }
0x3d: {  	_ =	shalt  }
0x3e: {  	_ =	shalt  }
0x3f: {  	_ =	shalt  }
0x40: {  	_ =	shalt  }
0x41: {  	_ =	shalt  }
0x42: {  	_ =	shalt  }
0x43: {  	_ =	shalt  }
0x44: {  	_ =	shalt  }
0x45: {  	_ =	shalt  }
0x46: {  	_ =	shalt  }
0x47: {  	_ =	shalt  }
0x48: {  	_ =	shalt  }
0x49: {  	_ =	shalt  }
0x4a: {  	_ =	shalt  }
0x4b: {  	_ =	shalt  }
0x4c: {  	_ =	shalt  }
0x4d: {  	_ =	shalt  }
0x4e: {  	_ =	shalt  }
0x4f: {  	_ =	shalt  }
0x50: {  	_ =	shalt  }
0x51: {  	_ =	shalt  }
0x52: {  	_ =	shalt  }
0x53: {  	_ =	shalt  }
0x54: {  	_ =	shalt  }
0x55: {  	_ =	shalt  }
0x56: {  	_ =	shalt  }
0x57: {  	_ =	shalt  }
0x58: {  	_ =	shalt  }
0x59: {  	_ =	shalt  }
0x5a: {  	_ =	shalt  }
0x5b: {  	_ =	shalt  }
0x5c: {  	_ =	shalt  }
0x5d: {  	_ =	shalt  }
0x5e: {  	_ =	shalt  }
0x5f: {  	_ =	shalt  }
0x60: {  	_ =	shalt  }
0x61: {  	_ =	shalt  }
0x62: {  	_ =	shalt  }
0x63: {  	_ =	shalt  }
0x64: {  	_ =	shalt  }
0x65: {  	_ =	shalt  }
0x66: {  	_ =	shalt  }
0x67: {  	_ =	shalt  }
0x68: {  	_ =	shalt  }
0x69: {  	_ =	shalt  }
0x6a: {  	_ =	shalt  }
0x6b: {  	_ =	shalt  }
0x6c: {  	_ =	shalt  }
0x6d: {  	_ =	shalt  }
0x6e: {  	_ =	shalt  }
0x6f: {  	_ =	shalt  }
0x70: {  	_ =	shalt  }
0x71: {  	_ =	shalt  }
0x72: {  	_ =	shalt  }
0x73: {  	_ =	shalt  }
0x74: {  	_ =	shalt  }
0x75: {  	_ =	shalt  }
0x76: {  	_ =	shalt  }
0x77: {  	_ =	shalt  }
0x78: {  	_ =	shalt  }
0x79: {  	_ =	shalt  }
0x7a: {  	_ =	shalt  }
0x7b: {  	_ =	shalt  }
0x7c: {  	_ =	shalt  }
0x7d: {  	_ =	shalt  }
0x7e: {  	_ =	shalt  }
0x7f: {  	_ =	shalt  }
0x80: {  	_ =	shalt  }
0x81: {  	_ =	shalt  }
0x82: {  	_ =	shalt  }
0x83: {  	_ =	shalt  }
0x84: {  	_ =	shalt  }
0x85: {  	_ =	shalt  }
0x86: {  	_ =	shalt  }
0x87: {  	_ =	shalt  }
.Lfunc_end0:
.L_simem_size_0:
called_computation_lowered:
.L_overlay_start_0:
0x88: {  	s2 =	sld [smem:$0x3FD9]  }
0x89: {  	s3 =	sld [smem:$0x3FFE];
	_ =	sdelay $0x1  }
0x8a: {  	s1 =	srdreg.scid  }
0x8b: {  	s0 =	sand.u32 $0x1, s1  }
0x8c: {  	s17 =	sshll.u32 s0, $0xA;
	s2 =	sadd.s32 s3, s2  }
0x8d: {  	s2 =	sadd.s32 s2, s17  }
0x8e: {  	[smem:$0x3FC0] =	sst s2  }
0x8f: {  	_ = 	snop  }
0x90: {  	s2 =	sld [smem:$0x3FC8];
	(tm) =	ssettm $0x1  }
0x91: {  	s18 =	sld [smem:$0x3FFB];
	_ =	sdelay $0x3  }
0x92: {  	_ =	strace s18  }
0x93: {  	s3 =	sld [smem:$0x3FFC];
	_ =	sdelay $0x3  }
0x94: {  	_ =	strace s3  }
0x95: {  	s3 =	sld [smem:$0x3FFD];
	_ =	sdelay $0x3  }
0x96: {  	_ =	strace s3  }
0x97: {  	_ =	strace $0x8FFFFFFF  }
0x98: {  	s19 =	sld [smem:$0x3FDB];
	_ =	sdelay $0x1  }
0x99: {  	s4 =	simm.s32 $_scs_section_size  }
0x9a: {  	s5 =	simm.s32 $_size__tile_overlayer_lowered;
	s6 =	simm.s32 $_tile_overlayer_lowered  }
0x9b: {  	s22 =	simm.s32 $0x1BFF;
	s21 =	sshll.u32 s6, $0x1;
	s3 =	sadd.s32 s4, s19  }
0x9c: {  	s7 =	simm.s32 $0x0;
	s20 =	sshll.u32 s5, $0x1;
	s5 =	sadd.s32 s21, s3  }
0x9d: {  	[timem:s7], [sflag:s22] =	dma.local [hbm:s5], s20  }
0x9e: {  	_ =	swait.ge [sflag:s22], s20  }
0x9f: {  	s4 =	ssub.s32 $0x0, s20;
	[sflag:s22] =	ssyncset.done $0x0  }
0xa0: {  	[sflag:s22] =	ssyncadd.s32 s4;
	_ =	sdelay $0x1  }
0xa1: {  	s23 =	simm.s32 $0x1B8B  }
0xa2: {  	_ =	swait.ge [sflag:s23], $0x1  }
0xa3: {  	[sflag:s23] =	ssyncset.done $0x0  }
0xa4: {  	s25 =	simm.s32 $0x1B8E;
	s24 =	sld [smem:$0x3FFE];
	[sflag:s23] =	ssyncadd.s32 $0xFFFFFFFF  }
0xa5: {  	s26 =	simm.s32 $execute0_lowered;
	[smem:$0x3FD2] =	sst s25  }
0xa6: {  	s5 =	sshll.u32 s26, $0x1;
	_ =	strace $0x80000046;
	[dreg:$0x1] =	wrdreg $0xFFFFFFFF  }
0xa7: {  	s28 =	simm.s32 $_size_execute0_lowered;
	s3 =	sadd.s32 s3, s5;
	[dreg:$0x0] =	wrdreg $0x0  }
0xa8: {  	s5 =	sshll.u32 s28, $0x1;
	[dreg:$0x2] =	wrdreg s3  }
0xa9: {  	[dreg:$0x3] =	wrdreg s5  }
0xaa: {  	[dreg:$0x4] =	wrdreg $0xC0  }
0xab: {  	_ =	task [dreg:s7], $0x5FFFF  }
0xac: {  	[dreg:$0x1] =	wrdreg $0xFFFFFFFF  }
0xad: {  	[dreg:$0x0] =	wrdreg $0x60  }
0xae: {  	[dreg:$0x2] =	wrdreg s2  }
0xaf: {  	[dreg:$0x3] =	wrdreg s24  }
0xb0: {  	[dreg:$0x4] =	wrdreg $0x90A00  }
0xb1: {  	[dreg:$0x5] =	wrdreg $0x9  }
0xb2: {  	_ =	task.clear_ibuf [dreg:s7], $0x6FFFF;
	_ =	strace $0x90000046  }
0xb3: {  	s29 =	simm.s32 $0x9;
	_ =	strace $0x80000048  }
0xb4: {  	_ =	swait.ge [sflag:s29], $0x1  }
0xb5: {  	[sflag:s29] =	ssyncadd.s32 $0xFFFFFFFF  }
0xb6: {  	_ =	strace $0x90000048  }
0xb7: {  	_ =	sfence  }
0xb8: {  	s30 =	sld [smem:$0x0];
	_ =	sdelay $0x2  }
0xb9: {  	s31 =	sshll.u32 s1, $0xD;
	s1 =	sshrl.u32 s1, $0x2  }
0xba: {  	s3 =	sand.u32 $0x4000, s31;
	s1 =	sadd.s32 s1, s30  }
0xbb: {  	s0 =	sor.u32 s3, s0;
	s1 =	sshll.u32 s1, $0x11  }
0xbc: {  	s0 =	sor.u32 s1, s0  }
0xbd: {  	s0 =	sadd.s32 $0x8F2B, s0  }
0xbe: {  	[sflag:s0] =	ssyncadd.remote.s32 $0x1  }
0xbf: {  	_ =	sfence.sel $0xFFFF  }
0xc0: {  	[dreg:$0x0] =	wrdreg $0xFFFFFFFF;
	(pc) =	sbr.abs _section_cstart, $3  }
0xc1: {  	[dreg:$0x1] =	wrdreg $0xFFFFFFFF  }
0xc2: {  	_ =	task.clear_ibuf [dreg:s7], $0x2FFFF;
	_ =	strace $0x9FFFFFFF  }
0xc3: {  	(tm) =	ssettm $0x7FFFFFFF  }
tec
execute0_lowered:
.L_overlay_start_1:
0x0: {  	(tag) =	ssettag $0x1  }
0x1: {  	s1 =	rddreg [dreg:$0x0]  }
0x2: {  	s2 =	srdreg.scid;
	s7 =	rddreg [dreg:$0x1]  }
0x3: {  	s0 =	stileid.u32;
	s3 =	rddreg [dreg:$0x2];
	s4 =	simm.s32 $0x0  }
0x4: {  	s13 =	simm.s32 $0x1;
	s14 =	simm.s32 $0x28A0;
	s21 =	simm.s32 $0x80  }
0x5: {  	s22 =	simm.s32 $0x50A0;
	s24 =	simm.s32 $0x0;
	s6 =	sand.u32 $0x1, s2  }
0x6: {  	s29 =	sshll.u32 s0, $0x1;
	[smem:$0x7FF] =	sst s4;
	s10 =	smul.u32 $0x14000, s0  }
0x7: {  	s5 =	sadd.s32 $0x1C00, s7;
	s12 =	smul.u32 $0x50000, s0;
	s15 =	sshll.u32 s0, $0x6  }
0x8: {  	s2 =	sor.u32 s6, s29;
	s9 =	smul.u32 $0x140000, s6;
	s11 =	ssub.s32 $0x2, s6  }
0x9: {  	s6 =	sadd.s32 $0x15C00, s7;
	s15 =	sor.u32 $0x1C02, s15;
	s8 =	smul.u32 $0x14, s2  }
0xa: {  	s2 =	rddreg [dreg:$0x3];
	_ =	strace $0x80000047;
	s30 =	sshrl.u32 s11, $0x1  }
0xb: {  	s31 =	sshrl.u32 s12, $0x2;
	s23 =	sadd.s32 s10, s3;
	s12 =	simm.s32 $0xA0  }
0xc: {  	s9 =	sadd.s32 s10, s9;
	s11 =	ssub.s32 s11, s30;
	s16 =	sadd.s32 s31, s3  }
0xd: {  	s10 =	simm.s32 $0x2;
	s23 =	sshrl.u32 s23, $0x3;
	s8 =	sadd.s32 s8, s7  }
0xe: {  	s9 =	sshrl.u32 s9, $0x3;
	s17 =	sadd.s32 $0x4000, s16;
	s18 =	sadd.s32 $0x8000, s16  }
0xf: {  	s19 =	sadd.s32 $0xC000, s16;
	s20 =	sadd.s32 $0x10000, s16;
	s16 =	sshrl.u32 s16, $0x3  }
0x10: {  	s9 =	sadd.s32 s9, s7;
	s7 =	sadd.s32 $0x1800, s8;
	s17 =	sshrl.u32 s17, $0x3  }
0x11: {  	s18 =	sshrl.u32 s18, $0x3;
	s19 =	sshrl.u32 s19, $0x3;
	s20 =	sshrl.u32 s20, $0x3  }
0x12: {  	s8 =	sadd.s32 $0x16400, s9;
	s9 =	smax.u32 s11, $0x1;
	s11 =	simm.s32 $0x50  }
.LBB2_1:
0x13: {  	[tilespmem:s4], [sflag:$0x2] =	stream.linear.gather [hbm4b:s7+s4], $0xA0, $0x38;
	[tilespmem:$0x1D0A0] =	vst v63  }
0x14: {  	_ =	swait.ge [sflag:s10], $0xA0  }
0x15: {  	[sflag:s10] =	ssyncset.done $0x0  }
0x16: {  	[sflag:s10] =	ssyncadd.s32 $0xFFFFFF60  }
0x17: {  	[tilespmem:s12], [sflag:$0x1] =	stream.indirect.gather [hbm4b:s5+s11], $0x80, s4, s11, $0xb8;
	[tilespmem:$0x1D0A0] =	vst v63  }
0x18: {  	_ =	swait.ge [sflag:s13], $0x2800  }
0x19: {  	[sflag:s13] =	ssyncset.done $0x0  }
0x1a: {  	[sflag:s13] =	ssyncadd.s32 $0xFFFFD800  }
0x1b: {  	[tilespmem:s14], [sflag:$0x1] =	stream.indirect.gather [hbm4b:s5+s11], $0x80, s11, s11, $0xb8;
	[tilespmem:$0x1D0A0] =	vst v63  }
0x1c: {  	_ =	swait.ge [sflag:s13], $0x2800  }
0x1d: {  	[sflag:s13] =	ssyncset.done $0x0  }
0x1e: {  	[sflag:s13] =	ssyncadd.s32 $0xFFFFD800  }
0x1f: {  	[spmem:s16], [sflag:s15] =	dma.local [hbm:s6], $0x800  }
0x20: {  	_ =	swait.ge [sflag:s10], $0x800  }
0x21: {  	[sflag:s10] =	ssyncset.done $0x0  }
0x22: {  	[sflag:s10] =	ssyncadd.s32 $0xFFFFF800  }
0x23: {  	[spmem:s17], [sflag:s15] =	dma.local [hbm:s6], $0x800  }
0x24: {  	_ =	swait.ge [sflag:s10], $0x800  }
0x25: {  	[sflag:s10] =	ssyncset.done $0x0  }
0x26: {  	[sflag:s10] =	ssyncadd.s32 $0xFFFFF800  }
0x27: {  	[spmem:s18], [sflag:s15] =	dma.local [hbm:s6], $0x800  }
0x28: {  	_ =	swait.ge [sflag:s10], $0x800  }
0x29: {  	[sflag:s10] =	ssyncset.done $0x0  }
0x2a: {  	[sflag:s10] =	ssyncadd.s32 $0xFFFFF800  }
0x2b: {  	[spmem:s19], [sflag:s15] =	dma.local [hbm:s6], $0x800  }
0x2c: {  	_ =	swait.ge [sflag:s10], $0x800  }
0x2d: {  	[sflag:s10] =	ssyncset.done $0x0  }
0x2e: {  	[sflag:s10] =	ssyncadd.s32 $0xFFFFF800  }
0x2f: {  	[spmem:s20], [sflag:s15] =	dma.local [hbm:s6], $0x800  }
0x30: {  	_ =	swait.ge [sflag:s10], $0x800  }
0x31: {  	[sflag:s10] =	ssyncset.done $0x0  }
0x32: {  	[sflag:s10] =	ssyncadd.s32 $0xFFFFF800  }
0x33: {  	s25 =	simm.s32 $0xA0;
	[bflag:$0x0] =	sbarrier.arrive $0xFFFF  }
0x34: {  	[tilespmem:s22], [sflag:$0x1] =	stream.indirect.gather [hbm4b:s1+s21], $0x80, s25, s21, $0xb8;
	[tilespmem:$0x1D0A0] =	vst v63  }
0x35: {  	_ =	swait.ge [sflag:s13], $0x4000  }
0x36: {  	[sflag:s13] =	ssyncset.done $0x0  }
0x37: {  	s31 =	simm.s32 $0x28A0;
	[sflag:s13] =	ssyncadd.s32 $0xFFFFC000  }
0x38: {  	[spmem:s3] =	stream.indirect.scatter.add.f32 [tilespmem:s22], [sflag:$0x2], $0x80, s31, s21, $0xb8;
	[tilespmem:$0x1D0A0] =	vst v63  }
0x39: {  	_ =	swait.ge [sflag:s10], $0x4000  }
0x3a: {  	s26 =	simm.s32 $0x400;
	s25 =	simm.s32 $0x80;
	[sflag:s10] =	ssyncset.done $0x0  }
.LBB2_2:
0x3b: {  	s28 =	sadd.s32 $0xA0, s25  }
0x3c: {  	[sflag:s10] =	ssyncadd.s32 $0xFFFFC000;
	s29 =	smov.u32 s26;
	s30 =	sadd.s32 $0x200, s26  }
0x3d: {  	[tilespmem:s22], [sflag:$0x1] =	stream.indirect.gather [hbm4b:s1+s21], $0x80, s28, s21, $0xb8;
	[tilespmem:$0x1D0A0] =	vst v63  }
0x3e: {  	p0 =	sne.s32 s26, $0x9E00;
	_ =	swait.ge [sflag:s13], $0x4000  }
.Ltmp0:
0x3f: {  	[sflag:s13] =	ssyncset.done $0x0;
	(pc) =	sbr.rel @p0 .LBB2_2-.Ltmp0, $4  }
0x40: {  	s25 =	sadd.s32 $0x28A0, s25;
	[sflag:s13] =	ssyncadd.s32 $0xFFFFC000  }
0x41: {  	[spmem:s3] =	stream.indirect.scatter.add.f32 [tilespmem:s22], [sflag:$0x2], $0x80, s25, s21, $0xb8;
	[tilespmem:$0x1D0A0] =	vst v63  }
0x42: {  	_ =	swait.ge [sflag:s10], $0x4000  }
0x43: {  	s26 =	smov.u32 s30;
	s25 =	sshra.s32 s29, $0x2;
	[sflag:s10] =	ssyncset.done $0x0  }
0x44: {  	s26 =	sadd.s32 $0xA0, s25;
	[sflag:s10] =	ssyncadd.s32 $0xFFFFC000  }
0x45: {  	[tilespmem:s22], [sflag:$0x1] =	stream.indirect.gather [hbm4b:s1+s21], $0x80, s26, s21, $0xb8;
	[tilespmem:$0x1D0A0] =	vst v63  }
0x46: {  	_ =	swait.ge [sflag:s13], $0x4000  }
0x47: {  	[sflag:s13] =	ssyncset.done $0x0  }
0x48: {  	s31 =	sadd.s32 $0x28A0, s25;
	[sflag:s13] =	ssyncadd.s32 $0xFFFFC000  }
0x49: {  	[spmem:s3] =	stream.indirect.scatter.add.f32 [tilespmem:s22], [sflag:$0x2], $0x80, s31, s21, $0xb8;
	[tilespmem:$0x1D0A0] =	vst v63  }
0x4a: {  	_ =	swait.ge [sflag:s10], $0x4000  }
0x4b: {  	s24 =	sadd.s32 $0x1, s24;
	[sflag:s10] =	ssyncset.done $0x0  }
0x4c: {  	p0 =	sne.s32 s24, s9;
	[sflag:s10] =	ssyncadd.s32 $0xFFFFC000  }
.Ltmp1:
0x4d: {  	[bflag:$0x0] =	sbarrier.arrive $0xFFFF;
	(pc) =	sbr.rel @p0 .LBB2_1-.Ltmp1, $4  }
0x4e: {  	[hbm:s8], [sflag:s15] =	dma.local [spmem:s23], $0x2800  }
0x4f: {  	_ =	swait.ge [sflag:s10], $0x2800  }
0x50: {  	[sflag:s10] =	ssyncset.done $0x0  }
0x51: {  	[sflag:s10] =	ssyncadd.s32 $0xFFFFD800  }
0x52: {  	_ =	sfence.sel $0x180000  }
0x53: {  	[bflag:$0x0] =	sbarrier.arrive $0xFFFF  }
0x54: {  	p0 =	sne.s32 s0, $0x0;
	_ =	strace $0x90000047  }
0x55: {  	s0 =	sadd.s32 @!p0 $0x100000, s2;
	[bflag:$0x2] =	sbarrier.arrive $0xFFFF  }
0x56: {  	[sflag:s0] =	ssyncadd.tile.s32 @!p0 $0x1;
	_ =	shalt  }
.Lfunc_end2:
_tile_overlayer_lowered:
.L_overlay_start_2:
0x57: {  	(tag) =	ssettag $0x2  }
0x58: {  	s0 =	rddreg [dreg:$0x0];
	s2 =	stileid.u32  }
0x59: {  	s1 =	rddreg [dreg:$0x1];
	p0 =	sne.s32 s2, $0x0  }
0x5a: {  	s3 =	rddreg [dreg:$0x2];
	[bflag:$0x3] =	sbarrier.arrive $0xFFFF;
	s2 =	simm.s32 @!p0 $0x1C02  }
0x5b: {  	[timem:s3], [sflag:s2] =	dma.local @!p0 [hbm:s0], s1  }
0x5c: {  	s0 =	simm.s32 @!p0 $0x2  }
0x5d: {  	_ =	swait.ge @!p0 [sflag:s0], s1  }
0x5e: {  	s1 =	ssub.s32 @!p0 $0x0, s1;
	[sflag:s0] =	ssyncset.done @!p0 $0x0  }
0x5f: {  	[sflag:s0] =	ssyncadd.s32 @!p0 s1  }
0x60: {  	[bflag:$0x3] =	sbarrier.arrive $0xFFFF  }
0x61: {  	_ =	shalt  }

// kernel: kernel.8.cloned.1.call-start
scs
__scs_entry_jumppad:
0x0: {  	(pc) =	sbr.rel $0x88, $3  }
0x1: {  	(tag) =	ssettag $0x0;
	lr =	simm.s32 $0x1  }
0x2: {  	[smem:$0x3F99] =	sst lr;
	_ =	strace $0xD0000000  }
0x3: {  	_ = 	snop  }
0x4: {  	_ = 	snop  }
0x5: {  	_ = 	snop  }
0x6: {  	_ = 	snop  }
0x7: {  	_ = 	snop  }
__scs_overlays_trampoline_lowered:
0x8: {  	[smem:$0x3FA8] =	sst s0  }
0x9: {  	[smem:$0x3FA9] =	sst s1  }
0xa: {  	[smem:$0x3FAA] =	sst s2  }
0xb: {  	[smem:$0x3FAB] =	sst s3  }
0xc: {  	[smem:$0x3FAC] =	sst s4  }
0xd: {  	[smem:$0x3FAD] =	sst s5  }
0xe: {  	[smem:$0x3FAE] =	sst s6  }
0xf: {  	[smem:$0x3FAF] =	sst s7  }
0x10: {  	[smem:$0x3FB0] =	sst s8  }
0x11: {  	[smem:$0x3FB1] =	sst s9;
	s0 =	simm.s32 @!p0 $0x0  }
0x12: {  	s1 =	sld [smem:$0x3F97];
	s0 =	simm.s32 @p0 $0x1  }
0x13: {  	[smem:$0x3FB2] =	sst s0;
	s0 =	simm.s32 @!p1 $0x0  }
0x14: {  	s2 =	sld [smem:$0x3F96];
	s0 =	simm.s32 @p1 $0x1  }
0x15: {  	[smem:$0x3FB3] =	sst s0;
	s0 =	simm.s32 @!p2 $0x0  }
0x16: {  	s3 =	sld [smem:$0x3FDB];
	s0 =	simm.s32 @p2 $0x1  }
0x17: {  	s4 =	simm.s32 $0x1BF5;
	[smem:$0x3FB5] =	sst s0  }
0x18: {  	s0 =	sld [smem:$0x3F98];
	_ =	swait.ge [sflag:s4], $0x0  }
0x19: {  	s7 =	sld [smem:$0x3F99]  }
0x1a: {  	s8 =	sadd.s32 $0xFFFFE003, lr  }
0x1b: {  	s9 =	sadd.s32 $0xFFFFFEF7, lr;
	s5 =	simm.s32 $0xFFFFFFFF;
	p2 =	slt.u32 s8, $0xFFFFF086  }
0x1c: {  	p1 =	slt.u32 s9, $0xF7A;
	s5 =	simm.s32 @!p2 $0x0  }
0x1d: {  	s5 =	simm.s32 @p1 $0x1;
	p0 =	seq.s32 s7, s2  }
0x1e: {  	s7 =	smul.u32 @!p0 $0xF7A, s2;
	p2 =	seq.s32 @!p0 s5, $0x0  }
0x1f: {  	s9 =	smul.u32 $0xF7A, s1;
	s8 =	simm.s32 @!p0 $0x1BF5;
	p2 =	por !p2, p0  }
0x20: {  	[sflag:s8] =	ssyncset.s32 @!p0 $0xFFFFF086;
	s6 =	sadd.s32 @!p0 s3, s7;
	s7 =	simm.s32 @!p0 $0x108  }
0x21: {  	s3 =	sadd.s32 s3, s9;
	s6 =	sadd.s32 @!p0 $0x88, s6;
	s7 =	simm.s32 @p2 $0x1082  }
0x22: {  	[simem:s7], [sflag:s8] =	dma.local @!p0 [hbm:s6], $0xF7A  }
0x23: {  	s9 =	sor.u32 $0xD0000000, s2;
	s6 =	simm.s32 $0x108;
	_ =	swait.ge @!p0 [sflag:s8], $0x0  }
0x24: {  	s3 =	sadd.s32 $0x88, s3;
	s6 =	simm.s32 @!p1 $0x1082;
	[sflag:s4] =	ssyncset.s32 $0xFFFFF086  }
0x25: {  	[simem:s6], [sflag:s4] =	dma.local [hbm:s3], $0xF7A  }
0x26: {  	[smem:$0x3F99] =	sst s1;
	(tag) =	ssettag s2;
	_ =	strace s9  }
0x27: {  	s1 =	sld [smem:$0x3FA9]  }
0x28: {  	s2 =	sld [smem:$0x3FAA]  }
0x29: {  	s4 =	sld [smem:$0x3FAC]  }
0x2a: {  	p0 =	seq.s32 s5, $0x0;
	s5 =	sld [smem:$0x3FAD]  }
0x2b: {  	s6 =	sld [smem:$0x3FAE]  }
0x2c: {  	s7 =	sld [smem:$0x3FAF]  }
0x2d: {  	s3 =	simm.s32 $0x108;
	s8 =	sld [smem:$0x3FB0]  }
0x2e: {  	s3 =	simm.s32 @!p0 $0x1082;
	s9 =	sld [smem:$0x3FB1]  }
0x2f: {  	lr =	sadd.s32 s0, s3;
	s0 =	sld [smem:$0x3FA8]  }
0x30: {  	s3 =	sld [smem:$0x3FAB]  }
0x31: {  	[smem:$0x3FB4] =	sst s10  }
0x32: {  	s10 =	sld [smem:$0x3FB2];
	_ =	sdelay $0x3  }
0x33: {  	p0 =	seq.s32 s10, $0x1;
	s10 =	sld [smem:$0x3FB4];
	_ =	sdelay $0x3  }
0x34: {  	[smem:$0x3FB4] =	sst s10  }
0x35: {  	s10 =	sld [smem:$0x3FB3];
	_ =	sdelay $0x3  }
0x36: {  	p1 =	seq.s32 s10, $0x1;
	s10 =	sld [smem:$0x3FB4];
	_ =	sdelay $0x3  }
0x37: {  	[smem:$0x3FB4] =	sst s10  }
0x38: {  	s10 =	sld [smem:$0x3FB5]  }
0x39: {  	_ = 	snop;
	(pc) =	sbr.ind lr, $3  }
0x3a: {  	_ = 	snop  }
0x3b: {  	_ = 	snop  }
0x3c: {  	p2 =	seq.s32 s10, $0x1;
	s10 =	sld [smem:$0x3FB4]  }
0x3d: {  	_ =	shalt  }
0x3e: {  	_ =	shalt  }
0x3f: {  	_ =	shalt  }
0x40: {  	_ =	shalt  }
0x41: {  	_ =	shalt  }
0x42: {  	_ =	shalt  }
0x43: {  	_ =	shalt  }
0x44: {  	_ =	shalt  }
0x45: {  	_ =	shalt  }
0x46: {  	_ =	shalt  }
0x47: {  	_ =	shalt  }
0x48: {  	_ =	shalt  }
0x49: {  	_ =	shalt  }
0x4a: {  	_ =	shalt  }
0x4b: {  	_ =	shalt  }
0x4c: {  	_ =	shalt  }
0x4d: {  	_ =	shalt  }
0x4e: {  	_ =	shalt  }
0x4f: {  	_ =	shalt  }
0x50: {  	_ =	shalt  }
0x51: {  	_ =	shalt  }
0x52: {  	_ =	shalt  }
0x53: {  	_ =	shalt  }
0x54: {  	_ =	shalt  }
0x55: {  	_ =	shalt  }
0x56: {  	_ =	shalt  }
0x57: {  	_ =	shalt  }
0x58: {  	_ =	shalt  }
0x59: {  	_ =	shalt  }
0x5a: {  	_ =	shalt  }
0x5b: {  	_ =	shalt  }
0x5c: {  	_ =	shalt  }
0x5d: {  	_ =	shalt  }
0x5e: {  	_ =	shalt  }
0x5f: {  	_ =	shalt  }
0x60: {  	_ =	shalt  }
0x61: {  	_ =	shalt  }
0x62: {  	_ =	shalt  }
0x63: {  	_ =	shalt  }
0x64: {  	_ =	shalt  }
0x65: {  	_ =	shalt  }
0x66: {  	_ =	shalt  }
0x67: {  	_ =	shalt  }
0x68: {  	_ =	shalt  }
0x69: {  	_ =	shalt  }
0x6a: {  	_ =	shalt  }
0x6b: {  	_ =	shalt  }
0x6c: {  	_ =	shalt  }
0x6d: {  	_ =	shalt  }
0x6e: {  	_ =	shalt  }
0x6f: {  	_ =	shalt  }
0x70: {  	_ =	shalt  }
0x71: {  	_ =	shalt  }
0x72: {  	_ =	shalt  }
0x73: {  	_ =	shalt  }
0x74: {  	_ =	shalt  }
0x75: {  	_ =	shalt  }
0x76: {  	_ =	shalt  }
0x77: {  	_ =	shalt  }
0x78: {  	_ =	shalt  }
0x79: {  	_ =	shalt  }
0x7a: {  	_ =	shalt  }
0x7b: {  	_ =	shalt  }
0x7c: {  	_ =	shalt  }
0x7d: {  	_ =	shalt  }
0x7e: {  	_ =	shalt  }
0x7f: {  	_ =	shalt  }
0x80: {  	_ =	shalt  }
0x81: {  	_ =	shalt  }
0x82: {  	_ =	shalt  }
0x83: {  	_ =	shalt  }
0x84: {  	_ =	shalt  }
0x85: {  	_ =	shalt  }
0x86: {  	_ =	shalt  }
0x87: {  	_ =	shalt  }
.Lfunc_end0:
.L_simem_size_0:
called_computation.1_lowered:
.L_overlay_start_0:
0x88: {  	s2 =	sld [smem:$0x3FD9]  }
0x89: {  	s3 =	sld [smem:$0x3FFE];
	_ =	sdelay $0x1  }
0x8a: {  	s1 =	srdreg.scid  }
0x8b: {  	s0 =	sand.u32 $0x1, s1  }
0x8c: {  	s17 =	sshll.u32 s0, $0xA;
	s2 =	sadd.s32 s3, s2  }
0x8d: {  	s2 =	sadd.s32 s2, s17  }
0x8e: {  	[smem:$0x3FC0] =	sst s2  }
0x8f: {  	_ = 	snop  }
0x90: {  	(tm) =	ssettm $0x1  }
0x91: {  	s18 =	sld [smem:$0x3FFB];
	_ =	sdelay $0x3  }
0x92: {  	_ =	strace s18  }
0x93: {  	s2 =	sld [smem:$0x3FFC];
	_ =	sdelay $0x3  }
0x94: {  	_ =	strace s2  }
0x95: {  	s2 =	sld [smem:$0x3FFD];
	_ =	sdelay $0x3  }
0x96: {  	_ =	strace s2  }
0x97: {  	_ =	strace $0x8FFFFFFF  }
0x98: {  	s19 =	sld [smem:$0x3FDB];
	_ =	sdelay $0x1  }
0x99: {  	s20 =	simm.s32 $_scs_section_size  }
0x9a: {  	s4 =	simm.s32 $_size__tile_overlayer_lowered;
	s5 =	simm.s32 $_tile_overlayer_lowered  }
0x9b: {  	s6 =	simm.s32 $0x1BFF;
	s21 =	sshll.u32 s5, $0x1;
	s3 =	sadd.s32 s20, s19  }
0x9c: {  	s22 =	simm.s32 $0x0;
	s4 =	sshll.u32 s4, $0x1;
	s5 =	sadd.s32 s21, s3  }
0x9d: {  	[timem:s22], [sflag:s6] =	dma.local [hbm:s5], s4  }
0x9e: {  	_ =	swait.ge [sflag:s6], s4  }
0x9f: {  	s4 =	ssub.s32 $0x0, s4;
	[sflag:s6] =	ssyncset.done $0x0  }
0xa0: {  	[sflag:s6] =	ssyncadd.s32 s4;
	_ =	sdelay $0x1  }
0xa1: {  	s23 =	simm.s32 $0x1B8B  }
0xa2: {  	_ =	swait.ge [sflag:s23], $0x1  }
0xa3: {  	[sflag:s23] =	ssyncset.done $0x0  }
0xa4: {  	[sflag:s23] =	ssyncadd.s32 $0xFFFFFFFF  }
0xa5: {  	s4 =	sld [smem:$0x0]  }
0xa6: {  	s5 =	sand.u32 $0xFFFFFFFE, s1  }
0xa7: {  	p0 =	sne.s32 s1, s5  }
0xa8: {  	s5 =	sshll.u32 @p0 s5, $0xE  }
0xa9: {  	s5 =	sadd.s32 @p0 $0x11B8D, s5;
	s6 =	sshll.u32 @p0 s4, $0x11  }
0xaa: {  	s5 =	sor.u32 @p0 s6, s5  }
0xab: {  	[sflag:s5] =	ssyncadd.remote.s32 @p0 $0x1;
	_ =	sdelay $0x1  }
0xac: {  	s5 =	simm.s32 @p0 $0x1B8D  }
0xad: {  	_ =	swait.eq @p0 [sflag:s5], $0x1  }
0xae: {  	[sflag:s5] =	ssyncadd.s32 @p0 $0xFFFFFFFF  }
0xaf: {  	s6 =	sshll.u32 @!p0 s1, $0xE  }
0xb0: {  	s6 =	sor.u32 @!p0 $0x4000, s6;
	s5 =	simm.s32 @!p0 $0x1B8D  }
0xb1: {  	s4 =	sshll.u32 @!p0 s4, $0x11;
	s6 =	sadd.s32 @!p0 $0x11B8D, s6;
	_ =	swait.eq @!p0 [sflag:s5], $0x1  }
0xb2: {  	s4 =	sor.u32 @!p0 s4, s6;
	[sflag:s5] =	ssyncadd.s32 @!p0 $0xFFFFFFFF  }
0xb3: {  	s25 =	simm.s32 $0x1B8E;
	s24 =	sld [smem:$0x3FFE];
	[sflag:s4] =	ssyncadd.remote.s32 @!p0 $0x1  }
0xb4: {  	s26 =	simm.s32 $execute0_lowered;
	[smem:$0x3FD2] =	sst s25  }
0xb5: {  	s5 =	sshll.u32 s26, $0x1;
	_ =	strace $0x80000049;
	[dreg:$0x1] =	wrdreg $0xFFFFFFFF  }
0xb6: {  	s28 =	simm.s32 $_size_execute0_lowered;
	s3 =	sadd.s32 s3, s5;
	[dreg:$0x0] =	wrdreg $0x0  }
0xb7: {  	s5 =	sshll.u32 s28, $0x1;
	[dreg:$0x2] =	wrdreg s3  }
0xb8: {  	[dreg:$0x3] =	wrdreg s5  }
0xb9: {  	[dreg:$0x4] =	wrdreg $0xC0  }
0xba: {  	_ =	task [dreg:s22], $0x5FFFF  }
0xbb: {  	[dreg:$0x1] =	wrdreg $0xFFFFFFFF  }
0xbc: {  	[dreg:$0x0] =	wrdreg $0x60  }
0xbd: {  	[dreg:$0x2] =	wrdreg s24  }
0xbe: {  	[dreg:$0x3] =	wrdreg $0x68800  }
0xbf: {  	[dreg:$0x4] =	wrdreg $0xA  }
0xc0: {  	_ =	task.clear_ibuf [dreg:s22], $0x5FFFF;
	_ =	strace $0x90000049  }
0xc1: {  	s29 =	simm.s32 $0xA;
	_ =	strace $0x8000004B  }
0xc2: {  	_ =	swait.ge [sflag:s29], $0x1  }
0xc3: {  	[sflag:s29] =	ssyncadd.s32 $0xFFFFFFFF  }
0xc4: {  	_ =	strace $0x9000004B  }
0xc5: {  	_ =	sfence  }
0xc6: {  	s30 =	sld [smem:$0x0];
	_ =	sdelay $0x2  }
0xc7: {  	s31 =	sshll.u32 s1, $0xD;
	s1 =	sshrl.u32 s1, $0x2  }
0xc8: {  	s4 =	sand.u32 $0x4000, s31;
	s1 =	sadd.s32 s1, s30  }
0xc9: {  	s0 =	sor.u32 s4, s0;
	s1 =	sshll.u32 s1, $0x11  }
0xca: {  	s0 =	sor.u32 s1, s0  }
0xcb: {  	s0 =	sadd.s32 $0x8F2B, s0  }
0xcc: {  	[sflag:s0] =	ssyncadd.remote.s32 $0x1  }
0xcd: {  	_ =	sfence.sel $0xFFFF  }
0xce: {  	[dreg:$0x0] =	wrdreg $0xFFFFFFFF;
	(pc) =	sbr.abs _section_cstart, $3  }
0xcf: {  	[dreg:$0x1] =	wrdreg $0xFFFFFFFF  }
0xd0: {  	_ =	task.clear_ibuf [dreg:s22], $0x2FFFF;
	_ =	strace $0x9FFFFFFF  }
0xd1: {  	(tm) =	ssettm $0x7FFFFFFF  }
tec
execute0_lowered:
.L_overlay_start_1:
0x0: {  	(tag) =	ssettag $0x1  }
0x1: {  	s7 =	rddreg [dreg:$0x0]  }
0x2: {  	s1 =	rddreg [dreg:$0x1]  }
0x3: {  	s2 =	srdreg.scid;
	s0 =	rddreg [dreg:$0x2];
	s3 =	simm.s32 $0x0  }
0x4: {  	s14 =	simm.s32 $0x2880;
	s21 =	simm.s32 $0x0;
	s8 =	sand.u32 $0x1, s2  }
0x5: {  	s2 =	stileid.u32;
	[smem:$0x7FF] =	sst s3;
	s4 =	sadd.s32 $0x1C00, s7  }
0x6: {  	s6 =	sadd.s32 $0x66600, s7;
	s9 =	smul.u32 $0x140000, s8;
	s5 =	sshll.u32 s8, $0x4  }
0x7: {  	s10 =	smul.u32 $0x14000, s2;
	_ =	strace $0x8000004A;
	s8 =	ssub.s32 $0x2, s8  }
0x8: {  	s28 =	smul.u32 $0x50000, s2;
	s12 =	sshll.u32 s2, $0x5;
	s15 =	sshll.u32 s2, $0x6  }
0x9: {  	s11 =	sadd.s32 s5, s7;
	s5 =	sadd.s32 $0x66E00, s7;
	s29 =	sshrl.u32 s8, $0x1  }
0xa: {  	s15 =	sor.u32 $0x1C02, s15;
	s9 =	sadd.s32 s10, s9;
	s13 =	ssub.s32 s8, s29  }
0xb: {  	s30 =	sadd.s32 s12, s11;
	s31 =	sshrl.u32 s28, $0x2;
	s10 =	simm.s32 $0x2  }
0xc: {  	s11 =	simm.s32 $0x50;
	s12 =	simm.s32 $0x80;
	s9 =	sshrl.u32 s9, $0x3  }
0xd: {  	s16 =	sadd.s32 s31, s1;
	s9 =	sadd.s32 s9, s7;
	s7 =	sadd.s32 $0x66400, s30  }
0xe: {  	s17 =	sadd.s32 $0x4000, s16;
	s18 =	sadd.s32 $0x8000, s16;
	s19 =	sadd.s32 $0xC000, s16  }
0xf: {  	s20 =	sadd.s32 $0x10000, s16;
	s16 =	sshrl.u32 s16, $0x3;
	s8 =	sadd.s32 $0x67600, s9  }
0x10: {  	s9 =	smax.u32 s13, $0x1;
	s13 =	simm.s32 $0x1;
	s17 =	sshrl.u32 s17, $0x3  }
0x11: {  	s18 =	sshrl.u32 s18, $0x3;
	s19 =	sshrl.u32 s19, $0x3;
	s20 =	sshrl.u32 s20, $0x3  }
.LBB2_1:
0x12: {  	[tilespmem:s3], [sflag:$0x2] =	stream.linear.gather [hbm4b:s7+s3], $0x80, $0x38;
	[tilespmem:$0x1A880] =	vst v63  }
0x13: {  	_ =	swait.ge [sflag:s10], $0x80  }
0x14: {  	[sflag:s10] =	ssyncset.done $0x0  }
0x15: {  	[sflag:s10] =	ssyncadd.s32 $0xFFFFFF80  }
0x16: {  	[tilespmem:s12], [sflag:$0x1] =	stream.indirect.gather [hbm4b:s4+s11], $0x80, s3, s11, $0xb8;
	[tilespmem:$0x1A880] =	vst v63  }
0x17: {  	_ =	swait.ge [sflag:s13], $0x2800  }
0x18: {  	[sflag:s13] =	ssyncset.done $0x0  }
0x19: {  	[sflag:s13] =	ssyncadd.s32 $0xFFFFD800  }
0x1a: {  	[tilespmem:s14], [sflag:$0x2] =	stream.linear.gather [hbm4b:s5+s3], $0x4000, $0x38;
	[tilespmem:$0x1A880] =	vst v63  }
0x1b: {  	_ =	swait.ge [sflag:s10], $0x4000  }
0x1c: {  	[sflag:s10] =	ssyncset.done $0x0  }
0x1d: {  	[sflag:s10] =	ssyncadd.s32 $0xFFFFC000  }
0x1e: {  	[spmem:s16], [sflag:s15] =	dma.local [hbm:s6], $0x800  }
0x1f: {  	_ =	swait.ge [sflag:s10], $0x800  }
0x20: {  	[sflag:s10] =	ssyncset.done $0x0  }
0x21: {  	[sflag:s10] =	ssyncadd.s32 $0xFFFFF800  }
0x22: {  	[spmem:s17], [sflag:s15] =	dma.local [hbm:s6], $0x800  }
0x23: {  	_ =	swait.ge [sflag:s10], $0x800  }
0x24: {  	[sflag:s10] =	ssyncset.done $0x0  }
0x25: {  	[sflag:s10] =	ssyncadd.s32 $0xFFFFF800  }
0x26: {  	[spmem:s18], [sflag:s15] =	dma.local [hbm:s6], $0x800  }
0x27: {  	_ =	swait.ge [sflag:s10], $0x800  }
0x28: {  	[sflag:s10] =	ssyncset.done $0x0  }
0x29: {  	[sflag:s10] =	ssyncadd.s32 $0xFFFFF800  }
0x2a: {  	[spmem:s19], [sflag:s15] =	dma.local [hbm:s6], $0x800  }
0x2b: {  	_ =	swait.ge [sflag:s10], $0x800  }
0x2c: {  	[sflag:s10] =	ssyncset.done $0x0  }
0x2d: {  	[sflag:s10] =	ssyncadd.s32 $0xFFFFF800  }
0x2e: {  	[spmem:s20], [sflag:s15] =	dma.local [hbm:s6], $0x800  }
0x2f: {  	_ =	swait.ge [sflag:s10], $0x800  }
0x30: {  	[sflag:s10] =	ssyncset.done $0x0  }
0x31: {  	[sflag:s10] =	ssyncadd.s32 $0xFFFFF800  }
0x32: {  	s22 =	simm.s32 $0x80;
	[bflag:$0x0] =	sbarrier.arrive $0xFFFF  }
0x33: {  	[spmem:s1] =	stream.indirect.scatter.add.f32 [tilespmem:s14], [sflag:$0x2], $0x80, s22, s12, $0xb8;
	[tilespmem:$0x1A880] =	vst v63  }
0x34: {  	s22 =	simm.s32 $0x200;
	_ =	swait.ge [sflag:s10], $0x4000  }
.LBB2_2:
0x35: {  	s23 =	sshra.s32 s22, $0x2;
	[sflag:s10] =	ssyncset.done $0x0;
	p0 =	sne.s32 s22, $0x9E00  }
.Ltmp0:
0x36: {  	s23 =	sadd.s32 $0x80, s23;
	[sflag:s10] =	ssyncadd.s32 $0xFFFFC000;
	(pc) =	sbr.rel @p0 .LBB2_2-.Ltmp0, $3  }
0x37: {  	[spmem:s1] =	stream.indirect.scatter.add.f32 [tilespmem:s14], [sflag:$0x2], $0x80, s23, s12, $0xb8;
	[tilespmem:$0x1A880] =	vst v63  }
0x38: {  	s22 =	sadd.s32 $0x200, s22;
	_ =	sdelay $0x1  }
0x39: {  	_ =	swait.ge [sflag:s10], $0x4000  }
0x3a: {  	[sflag:s10] =	ssyncset.done $0x0;
	s21 =	sadd.s32 $0x1, s21  }
0x3b: {  	[sflag:s10] =	ssyncadd.s32 $0xFFFFC000;
	p0 =	sne.s32 s21, s9  }
.Ltmp1:
0x3c: {  	[bflag:$0x0] =	sbarrier.arrive $0xFFFF;
	(pc) =	sbr.rel @p0 .LBB2_1-.Ltmp1, $4  }
0x3d: {  	[hbm:s8], [sflag:s15] =	dma.local [spmem:s16], $0x2800  }
0x3e: {  	_ =	swait.ge [sflag:s10], $0x2800  }
0x3f: {  	[sflag:s10] =	ssyncset.done $0x0  }
0x40: {  	[sflag:s10] =	ssyncadd.s32 $0xFFFFD800  }
0x41: {  	_ =	sfence.sel $0x180000  }
0x42: {  	[bflag:$0x0] =	sbarrier.arrive $0xFFFF  }
0x43: {  	p0 =	sne.s32 s2, $0x0;
	_ =	strace $0x9000004A  }
0x44: {  	s0 =	sadd.s32 @!p0 $0x100000, s0;
	[bflag:$0x2] =	sbarrier.arrive $0xFFFF  }
0x45: {  	[sflag:s0] =	ssyncadd.tile.s32 @!p0 $0x1;
	_ =	shalt  }
.Lfunc_end2:
_tile_overlayer_lowered:
.L_overlay_start_2:
0x46: {  	(tag) =	ssettag $0x2  }
0x47: {  	s0 =	rddreg [dreg:$0x0];
	s2 =	stileid.u32  }
0x48: {  	s1 =	rddreg [dreg:$0x1];
	p0 =	sne.s32 s2, $0x0  }
0x49: {  	s3 =	rddreg [dreg:$0x2];
	[bflag:$0x3] =	sbarrier.arrive $0xFFFF;
	s2 =	simm.s32 @!p0 $0x1C02  }
0x4a: {  	[timem:s3], [sflag:s2] =	dma.local @!p0 [hbm:s0], s1  }
0x4b: {  	s0 =	simm.s32 @!p0 $0x2  }
0x4c: {  	_ =	swait.ge @!p0 [sflag:s0], s1  }
0x4d: {  	s1 =	ssub.s32 @!p0 $0x0, s1;
	[sflag:s0] =	ssyncset.done @!p0 $0x0  }
0x4e: {  	[sflag:s0] =	ssyncadd.s32 @!p0 s1  }
0x4f: {  	[bflag:$0x3] =	sbarrier.arrive $0xFFFF  }
0x50: {  	_ =	shalt  }

</sc_bundles>
